<compile_context>
chip_gen: v7x
topology: tpu7x:2x2x1
jax: 0.10.2.dev20260603
libtpu: 0.0.44.dev20260713+nightly
codegen_flags: <defaults>
</compile_context>

<pallas_src>
import functools

import jax
import jax.numpy as jnp
from jax import lax
from jax.experimental import pallas as pl
from jax.experimental.pallas import tpu as pltpu
from jax.experimental.pallas import tpu_sc as plsc

_L = 16


@functools.lru_cache(maxsize=None)
def _make_sc_kernel(B, C, H, W):
    E = C // 2
    NC, NS = 2, 16
    NW = NC * NS
    assert H == NW and W == NW and E % _L == 0 and C == 2 * E

    mesh = plsc.VectorSubcoreMesh(core_axis_name="c", subcore_axis_name="s")

    @functools.partial(
        pl.kernel,
        mesh=mesh,
        compiler_params=pltpu.CompilerParams(needs_layout_passes=False),
        out_type=jax.ShapeDtypeStruct((B, H, W, C), jnp.float32),
        scratch_types=[
            pltpu.VMEM((H, E), jnp.float32),
            pltpu.VMEM((W, C), jnp.float32),
            pltpu.SemaphoreType.DMA,
            pltpu.SemaphoreType.DMA,
        ],
    )
    def k(row_hbm, col_hbm, out_hbm, rowt_v, slab_v, sem, sem2):
        wid = lax.axis_index("c") * NS + lax.axis_index("s")
        cp_col = pltpu.async_copy(
            col_hbm.at[pl.ds(0, W)], slab_v.at[:, pl.ds(0, E)], sem)
        cp_row = pltpu.async_copy(row_hbm.at[pl.ds(0, H)], rowt_v, sem2)
        cp_row.wait()
        wv = jnp.broadcast_to(wid, (_L,)).astype(jnp.int32)
        for c0 in range(0, E, _L):
            rv = plsc.load_gather(rowt_v, [wv, c0 + lax.iota(jnp.int32, _L)])
            for j in range(W):
                slab_v[j, pl.ds(E + c0, _L)] = rv
        cp_col.wait()
        copies = [pltpu.async_copy(slab_v, out_hbm.at[b, wid], sem)
                  for b in range(B)]
        for cp in copies:
            cp.wait()

    return k


def kernel(x, row_embed, col_embed):
    B, C, H, W = x.shape
    out = _make_sc_kernel(B, C, H, W)(row_embed, col_embed)
    return out.transpose(0, 3, 1, 2)

# --- scband reference (transcript-rebuilt; emitter-appended) ---
"""Pipeline reference for scband-positional-embedding-1537598292649 (READ-ONLY COPY).

The authoritative reference and input builder live on the scoring server;
editing this copy changes nothing except your own understanding.
"""

import jax, jax.numpy as jnp
import numpy as np


def setup_inputs(seed: int = 0) -> dict:
    key = jax.random.key(seed)
    k1, k2, k3 = jax.random.split(key, 3)
    x = jax.random.normal(k1, (8, 256, 32, 32), dtype=jnp.float32)
    # nn.Embedding default init is N(0,1); reset_parameters uses uniform. Use uniform per reset_parameters.
    row_embed = jax.random.uniform(k2, (50, 128), dtype=jnp.float32)
    col_embed = jax.random.uniform(k3, (50, 128), dtype=jnp.float32)
    return {"x": x, "row_embed": row_embed, "col_embed": col_embed}


def reference(x, row_embed, col_embed):
    h, w = x.shape[-2], x.shape[-1]
    i = jnp.arange(w)
    j = jnp.arange(h)
    x_embed = jnp.take(col_embed, i, axis=0)  # [w, embed_dim]
    y_embed = jnp.take(row_embed, j, axis=0)  # [h, embed_dim]
    pos = jnp.concatenate(
        [
            jnp.tile(x_embed[None, :, :], (h, 1, 1)),  # [h, w, embed_dim]
            jnp.tile(y_embed[:, None, :], (1, w, 1)),  # [h, w, embed_dim]
        ],
        axis=-1,
    )  # [h, w, n_dim]
    pos = jnp.transpose(pos, (2, 0, 1))[None]  # [1, n_dim, h, w]
    pos = jnp.tile(pos, (x.shape[0], 1, 1, 1))  # [B, n_dim, h, w]
    return pos

if __name__ == "__main__":
    import jax
    _d = setup_inputs()
    print(jax.jit(kernel)(*tuple(_d.values())))

</pallas_src>

<mosaic_0001>
#map = affine_map<(d0, d1) -> (0, 0)>
#map1 = affine_map<(d0, d1) -> (0, 0, 0, 0)>
module attributes {stable_mosaic.version = 14 : i64} {
  func.func @k(%arg0: i32, %arg1: i32, %arg2: memref<50x128xf32, #tpu.memory_space<hbm>>, %arg3: memref<50x128xf32, #tpu.memory_space<hbm>>, %arg4: memref<8x32x32x256xf32, #tpu.memory_space<hbm>>, %arg5: memref<32x128xf32, #tpu.memory_space<vmem>>, %arg6: memref<32x256xf32, #tpu.memory_space<vmem>>, %arg7: memref<!tpu.dma_semaphore, #tpu.memory_space<semaphore_mem>>, %arg8: memref<!tpu.dma_semaphore, #tpu.memory_space<semaphore_mem>>) attributes {dimension_semantics = [#tpu.dimension_semantics<core_parallel>, #tpu.dimension_semantics<subcore_parallel>], iteration_bounds = array<i64: 2, 16>, scalar_prefetch = 0 : i64, scratch_operands = 4 : i64, tpu.core_type = #tpu.core_type<sc_vector_subcore>, window_params = [{transform_indices = #map}, {transform_indices = #map}, {transform_indices = #map1}]} {
    %mul3A = arith.constant 16 : i32
    %mul3A_0 = arith.muli %arg0, %mul3A : i32
    %add3A = arith.addi %mul3A_0, %arg1 : i32
    %dma_start3A = arith.constant 0 : i32
    %dma_start3A_1 = arith.constant 0 : i32
    %dma_start3A_2 = tpu.memref_slice %arg6[%dma_start3A, %dma_start3A_1] : memref<32x256xf32, #tpu.memory_space<vmem>> -> memref<32x128xf32, #tpu.memory_space<vmem>>
    %dma_start3A_3 = arith.constant 0 : i32
    %dma_start3A_4 = arith.constant 0 : i32
    %dma_start3A_5 = tpu.memref_slice %arg3[%dma_start3A_3, %dma_start3A_4] : memref<50x128xf32, #tpu.memory_space<hbm>> -> memref<32x128xf32, #tpu.memory_space<hbm>>
    %dma_start3A_6 = arith.constant 0 : i32
    %dma_start3A_7 = arith.constant 0 : i32
    %dma_start3A_8 = tpu.memref_slice %arg6[%dma_start3A_6, %dma_start3A_7] : memref<32x256xf32, #tpu.memory_space<vmem>> -> memref<32x128xf32, #tpu.memory_space<vmem>>
    %dma_start3A_9 = arith.constant 0 : i32
    %dma_start3A_10 = arith.constant 0 : i32
    %dma_start3A_11 = tpu.memref_slice %arg3[%dma_start3A_9, %dma_start3A_10] : memref<50x128xf32, #tpu.memory_space<hbm>> -> memref<32x128xf32, #tpu.memory_space<hbm>>
    tpu.enqueue_dma source(%dma_start3A_11 : memref<32x128xf32, #tpu.memory_space<hbm>>) target(%dma_start3A_8 : memref<32x128xf32, #tpu.memory_space<vmem>>) target_semaphore(%arg7 : memref<!tpu.dma_semaphore, #tpu.memory_space<semaphore_mem>>)
    %dma_start3A_12 = arith.constant 0 : i32
    %dma_start3A_13 = arith.constant 0 : i32
    %dma_start3A_14 = tpu.memref_slice %arg2[%dma_start3A_12, %dma_start3A_13] : memref<50x128xf32, #tpu.memory_space<hbm>> -> memref<32x128xf32, #tpu.memory_space<hbm>>
    %dma_start3A_15 = arith.constant 0 : i32
    %dma_start3A_16 = arith.constant 0 : i32
    %dma_start3A_17 = tpu.memref_slice %arg2[%dma_start3A_15, %dma_start3A_16] : memref<50x128xf32, #tpu.memory_space<hbm>> -> memref<32x128xf32, #tpu.memory_space<hbm>>
    tpu.enqueue_dma source(%dma_start3A_17 : memref<32x128xf32, #tpu.memory_space<hbm>>) target(%arg5 : memref<32x128xf32, #tpu.memory_space<vmem>>) target_semaphore(%arg8 : memref<!tpu.dma_semaphore, #tpu.memory_space<semaphore_mem>>)
    %dma_wait3A = arith.constant 0 : i32
    %dma_wait3A_18 = arith.constant 0 : i32
    %dma_wait3A_19 = tpu.memref_slice %arg2[%dma_wait3A, %dma_wait3A_18] : memref<50x128xf32, #tpu.memory_space<hbm>> -> memref<32x128xf32, #tpu.memory_space<hbm>>
    %dma_wait3A_20 = arith.constant 0 : i32
    %dma_wait3A_21 = arith.constant 0 : i32
    %dma_wait3A_22 = tpu.memref_slice %arg2[%dma_wait3A_20, %dma_wait3A_21] : memref<50x128xf32, #tpu.memory_space<hbm>> -> memref<32x128xf32, #tpu.memory_space<hbm>>
    tpu.wait_dma2 semaphore(%arg8 : memref<!tpu.dma_semaphore, #tpu.memory_space<semaphore_mem>>) src(%dma_wait3A_22 : memref<32x128xf32, #tpu.memory_space<hbm>>) dst(%arg5 : memref<32x128xf32, #tpu.memory_space<vmem>>)
    %broadcast_in_dim3A = vector.broadcast %add3A : i32 to vector<16xi32>
    %iota3A = tpu.iota {dimensions = array<i32: 0>} : vector<16xi32>
    %add3A_23 = arith.constant 0 : i32
    %add3A_24 = vector.broadcast %add3A_23 : i32 to vector<16xi32>
    %add3A_25 = arith.addi %add3A_24, %iota3A : vector<16xi32>
    %gather3A = tpu.vector_load_idx %arg5[%broadcast_in_dim3A, %add3A_25] : memref<32x128xf32, #tpu.memory_space<vmem>>[vector<16xi32>, vector<16xi32>], vector<16xf32>,
    %swap3A = arith.constant 0 : i32
    %swap3A_26 = arith.index_cast %swap3A : i32 to index
    %swap3A_27 = arith.constant 128 : index
    %swap3A_28 = tpu.vector_load %arg6[%swap3A_26, %swap3A_27] {strides = array<i32>} : memref<32x256xf32, #tpu.memory_space<vmem>>, vector<16xf32>,
    tpu.vector_store %arg6[%swap3A_26, %swap3A_27], %gather3A {strides = array<i32>} : memref<32x256xf32, #tpu.memory_space<vmem>>, vector<16xf32>,
    %swap3A_29 = arith.constant 1 : i32
    %swap3A_30 = arith.index_cast %swap3A_29 : i32 to index
    %swap3A_31 = arith.constant 128 : index
    %swap3A_32 = tpu.vector_load %arg6[%swap3A_30, %swap3A_31] {strides = array<i32>} : memref<32x256xf32, #tpu.memory_space<vmem>>, vector<16xf32>,
    tpu.vector_store %arg6[%swap3A_30, %swap3A_31], %gather3A {strides = array<i32>} : memref<32x256xf32, #tpu.memory_space<vmem>>, vector<16xf32>,
    %swap3A_33 = arith.constant 2 : i32
    %swap3A_34 = arith.index_cast %swap3A_33 : i32 to index
    %swap3A_35 = arith.constant 128 : index
    %swap3A_36 = tpu.vector_load %arg6[%swap3A_34, %swap3A_35] {strides = array<i32>} : memref<32x256xf32, #tpu.memory_space<vmem>>, vector<16xf32>,
    tpu.vector_store %arg6[%swap3A_34, %swap3A_35], %gather3A {strides = array<i32>} : memref<32x256xf32, #tpu.memory_space<vmem>>, vector<16xf32>,
    %swap3A_37 = arith.constant 3 : i32
    %swap3A_38 = arith.index_cast %swap3A_37 : i32 to index
    %swap3A_39 = arith.constant 128 : index
    %swap3A_40 = tpu.vector_load %arg6[%swap3A_38, %swap3A_39] {strides = array<i32>} : memref<32x256xf32, #tpu.memory_space<vmem>>, vector<16xf32>,
    tpu.vector_store %arg6[%swap3A_38, %swap3A_39], %gather3A {strides = array<i32>} : memref<32x256xf32, #tpu.memory_space<vmem>>, vector<16xf32>,
    %swap3A_41 = arith.constant 4 : i32
    %swap3A_42 = arith.index_cast %swap3A_41 : i32 to index
    %swap3A_43 = arith.constant 128 : index
    %swap3A_44 = tpu.vector_load %arg6[%swap3A_42, %swap3A_43] {strides = array<i32>} : memref<32x256xf32, #tpu.memory_space<vmem>>, vector<16xf32>,
    tpu.vector_store %arg6[%swap3A_42, %swap3A_43], %gather3A {strides = array<i32>} : memref<32x256xf32, #tpu.memory_space<vmem>>, vector<16xf32>,
    %swap3A_45 = arith.constant 5 : i32
    %swap3A_46 = arith.index_cast %swap3A_45 : i32 to index
    %swap3A_47 = arith.constant 128 : index
    %swap3A_48 = tpu.vector_load %arg6[%swap3A_46, %swap3A_47] {strides = array<i32>} : memref<32x256xf32, #tpu.memory_space<vmem>>, vector<16xf32>,
    tpu.vector_store %arg6[%swap3A_46, %swap3A_47], %gather3A {strides = array<i32>} : memref<32x256xf32, #tpu.memory_space<vmem>>, vector<16xf32>,
    %swap3A_49 = arith.constant 6 : i32
    %swap3A_50 = arith.index_cast %swap3A_49 : i32 to index
    %swap3A_51 = arith.constant 128 : index
    %swap3A_52 = tpu.vector_load %arg6[%swap3A_50, %swap3A_51] {strides = array<i32>} : memref<32x256xf32, #tpu.memory_space<vmem>>, vector<16xf32>,
    tpu.vector_store %arg6[%swap3A_50, %swap3A_51], %gather3A {strides = array<i32>} : memref<32x256xf32, #tpu.memory_space<vmem>>, vector<16xf32>,
    %swap3A_53 = arith.constant 7 : i32
    %swap3A_54 = arith.index_cast %swap3A_53 : i32 to index
    %swap3A_55 = arith.constant 128 : index
    %swap3A_56 = tpu.vector_load %arg6[%swap3A_54, %swap3A_55] {strides = array<i32>} : memref<32x256xf32, #tpu.memory_space<vmem>>, vector<16xf32>,
    tpu.vector_store %arg6[%swap3A_54, %swap3A_55], %gather3A {strides = array<i32>} : memref<32x256xf32, #tpu.memory_space<vmem>>, vector<16xf32>,
    %swap3A_57 = arith.constant 8 : i32
    %swap3A_58 = arith.index_cast %swap3A_57 : i32 to index
    %swap3A_59 = arith.constant 128 : index
    %swap3A_60 = tpu.vector_load %arg6[%swap3A_58, %swap3A_59] {strides = array<i32>} : memref<32x256xf32, #tpu.memory_space<vmem>>, vector<16xf32>,
    tpu.vector_store %arg6[%swap3A_58, %swap3A_59], %gather3A {strides = array<i32>} : memref<32x256xf32, #tpu.memory_space<vmem>>, vector<16xf32>,
    %swap3A_61 = arith.constant 9 : i32
    %swap3A_62 = arith.index_cast %swap3A_61 : i32 to index
    %swap3A_63 = arith.constant 128 : index
    %swap3A_64 = tpu.vector_load %arg6[%swap3A_62, %swap3A_63] {strides = array<i32>} : memref<32x256xf32, #tpu.memory_space<vmem>>, vector<16xf32>,
    tpu.vector_store %arg6[%swap3A_62, %swap3A_63], %gather3A {strides = array<i32>} : memref<32x256xf32, #tpu.memory_space<vmem>>, vector<16xf32>,
    %swap3A_65 = arith.constant 10 : i32
    %swap3A_66 = arith.index_cast %swap3A_65 : i32 to index
    %swap3A_67 = arith.constant 128 : index
    %swap3A_68 = tpu.vector_load %arg6[%swap3A_66, %swap3A_67] {strides = array<i32>} : memref<32x256xf32, #tpu.memory_space<vmem>>, vector<16xf32>,
    tpu.vector_store %arg6[%swap3A_66, %swap3A_67], %gather3A {strides = array<i32>} : memref<32x256xf32, #tpu.memory_space<vmem>>, vector<16xf32>,
    %swap3A_69 = arith.constant 11 : i32
    %swap3A_70 = arith.index_cast %swap3A_69 : i32 to index
    %swap3A_71 = arith.constant 128 : index
    %swap3A_72 = tpu.vector_load %arg6[%swap3A_70, %swap3A_71] {strides = array<i32>} : memref<32x256xf32, #tpu.memory_space<vmem>>, vector<16xf32>,
    tpu.vector_store %arg6[%swap3A_70, %swap3A_71], %gather3A {strides = array<i32>} : memref<32x256xf32, #tpu.memory_space<vmem>>, vector<16xf32>,
    %swap3A_73 = arith.constant 12 : i32
    %swap3A_74 = arith.index_cast %swap3A_73 : i32 to index
    %swap3A_75 = arith.constant 128 : index
    %swap3A_76 = tpu.vector_load %arg6[%swap3A_74, %swap3A_75] {strides = array<i32>} : memref<32x256xf32, #tpu.memory_space<vmem>>, vector<16xf32>,
    tpu.vector_store %arg6[%swap3A_74, %swap3A_75], %gather3A {strides = array<i32>} : memref<32x256xf32, #tpu.memory_space<vmem>>, vector<16xf32>,
    %swap3A_77 = arith.constant 13 : i32
    %swap3A_78 = arith.index_cast %swap3A_77 : i32 to index
    %swap3A_79 = arith.constant 128 : index
    %swap3A_80 = tpu.vector_load %arg6[%swap3A_78, %swap3A_79] {strides = array<i32>} : memref<32x256xf32, #tpu.memory_space<vmem>>, vector<16xf32>,
    tpu.vector_store %arg6[%swap3A_78, %swap3A_79], %gather3A {strides = array<i32>} : memref<32x256xf32, #tpu.memory_space<vmem>>, vector<16xf32>,
    %swap3A_81 = arith.constant 14 : i32
    %swap3A_82 = arith.index_cast %swap3A_81 : i32 to index
    %swap3A_83 = arith.constant 128 : index
    %swap3A_84 = tpu.vector_load %arg6[%swap3A_82, %swap3A_83] {strides = array<i32>} : memref<32x256xf32, #tpu.memory_space<vmem>>, vector<16xf32>,
    tpu.vector_store %arg6[%swap3A_82, %swap3A_83], %gather3A {strides = array<i32>} : memref<32x256xf32, #tpu.memory_space<vmem>>, vector<16xf32>,
    %swap3A_85 = arith.constant 15 : i32
    %swap3A_86 = arith.index_cast %swap3A_85 : i32 to index
    %swap3A_87 = arith.constant 128 : index
    %swap3A_88 = tpu.vector_load %arg6[%swap3A_86, %swap3A_87] {strides = array<i32>} : memref<32x256xf32, #tpu.memory_space<vmem>>, vector<16xf32>,
    tpu.vector_store %arg6[%swap3A_86, %swap3A_87], %gather3A {strides = array<i32>} : memref<32x256xf32, #tpu.memory_space<vmem>>, vector<16xf32>,
    %swap3A_89 = arith.constant 16 : i32
    %swap3A_90 = arith.index_cast %swap3A_89 : i32 to index
    %swap3A_91 = arith.constant 128 : index
    %swap3A_92 = tpu.vector_load %arg6[%swap3A_90, %swap3A_91] {strides = array<i32>} : memref<32x256xf32, #tpu.memory_space<vmem>>, vector<16xf32>,
    tpu.vector_store %arg6[%swap3A_90, %swap3A_91], %gather3A {strides = array<i32>} : memref<32x256xf32, #tpu.memory_space<vmem>>, vector<16xf32>,
    %swap3A_93 = arith.constant 17 : i32
    %swap3A_94 = arith.index_cast %swap3A_93 : i32 to index
    %swap3A_95 = arith.constant 128 : index
    %swap3A_96 = tpu.vector_load %arg6[%swap3A_94, %swap3A_95] {strides = array<i32>} : memref<32x256xf32, #tpu.memory_space<vmem>>, vector<16xf32>,
    tpu.vector_store %arg6[%swap3A_94, %swap3A_95], %gather3A {strides = array<i32>} : memref<32x256xf32, #tpu.memory_space<vmem>>, vector<16xf32>,
    %swap3A_97 = arith.constant 18 : i32
    %swap3A_98 = arith.index_cast %swap3A_97 : i32 to index
    %swap3A_99 = arith.constant 128 : index
    %swap3A_100 = tpu.vector_load %arg6[%swap3A_98, %swap3A_99] {strides = array<i32>} : memref<32x256xf32, #tpu.memory_space<vmem>>, vector<16xf32>,
    tpu.vector_store %arg6[%swap3A_98, %swap3A_99], %gather3A {strides = array<i32>} : memref<32x256xf32, #tpu.memory_space<vmem>>, vector<16xf32>,
    %swap3A_101 = arith.constant 19 : i32
    %swap3A_102 = arith.index_cast %swap3A_101 : i32 to index
    %swap3A_103 = arith.constant 128 : index
    %swap3A_104 = tpu.vector_load %arg6[%swap3A_102, %swap3A_103] {strides = array<i32>} : memref<32x256xf32, #tpu.memory_space<vmem>>, vector<16xf32>,
    tpu.vector_store %arg6[%swap3A_102, %swap3A_103], %gather3A {strides = array<i32>} : memref<32x256xf32, #tpu.memory_space<vmem>>, vector<16xf32>,
    %swap3A_105 = arith.constant 20 : i32
    %swap3A_106 = arith.index_cast %swap3A_105 : i32 to index
    %swap3A_107 = arith.constant 128 : index
    %swap3A_108 = tpu.vector_load %arg6[%swap3A_106, %swap3A_107] {strides = array<i32>} : memref<32x256xf32, #tpu.memory_space<vmem>>, vector<16xf32>,
    tpu.vector_store %arg6[%swap3A_106, %swap3A_107], %gather3A {strides = array<i32>} : memref<32x256xf32, #tpu.memory_space<vmem>>, vector<16xf32>,
    %swap3A_109 = arith.constant 21 : i32
    %swap3A_110 = arith.index_cast %swap3A_109 : i32 to index
    %swap3A_111 = arith.constant 128 : index
    %swap3A_112 = tpu.vector_load %arg6[%swap3A_110, %swap3A_111] {strides = array<i32>} : memref<32x256xf32, #tpu.memory_space<vmem>>, vector<16xf32>,
    tpu.vector_store %arg6[%swap3A_110, %swap3A_111], %gather3A {strides = array<i32>} : memref<32x256xf32, #tpu.memory_space<vmem>>, vector<16xf32>,
    %swap3A_113 = arith.constant 22 : i32
    %swap3A_114 = arith.index_cast %swap3A_113 : i32 to index
    %swap3A_115 = arith.constant 128 : index
    %swap3A_116 = tpu.vector_load %arg6[%swap3A_114, %swap3A_115] {strides = array<i32>} : memref<32x256xf32, #tpu.memory_space<vmem>>, vector<16xf32>,
    tpu.vector_store %arg6[%swap3A_114, %swap3A_115], %gather3A {strides = array<i32>} : memref<32x256xf32, #tpu.memory_space<vmem>>, vector<16xf32>,
    %swap3A_117 = arith.constant 23 : i32
    %swap3A_118 = arith.index_cast %swap3A_117 : i32 to index
    %swap3A_119 = arith.constant 128 : index
    %swap3A_120 = tpu.vector_load %arg6[%swap3A_118, %swap3A_119] {strides = array<i32>} : memref<32x256xf32, #tpu.memory_space<vmem>>, vector<16xf32>,
    tpu.vector_store %arg6[%swap3A_118, %swap3A_119], %gather3A {strides = array<i32>} : memref<32x256xf32, #tpu.memory_space<vmem>>, vector<16xf32>,
    %swap3A_121 = arith.constant 24 : i32
    %swap3A_122 = arith.index_cast %swap3A_121 : i32 to index
    %swap3A_123 = arith.constant 128 : index
    %swap3A_124 = tpu.vector_load %arg6[%swap3A_122, %swap3A_123] {strides = array<i32>} : memref<32x256xf32, #tpu.memory_space<vmem>>, vector<16xf32>,
    tpu.vector_store %arg6[%swap3A_122, %swap3A_123], %gather3A {strides = array<i32>} : memref<32x256xf32, #tpu.memory_space<vmem>>, vector<16xf32>,
    %swap3A_125 = arith.constant 25 : i32
    %swap3A_126 = arith.index_cast %swap3A_125 : i32 to index
    %swap3A_127 = arith.constant 128 : index
    %swap3A_128 = tpu.vector_load %arg6[%swap3A_126, %swap3A_127] {strides = array<i32>} : memref<32x256xf32, #tpu.memory_space<vmem>>, vector<16xf32>,
    tpu.vector_store %arg6[%swap3A_126, %swap3A_127], %gather3A {strides = array<i32>} : memref<32x256xf32, #tpu.memory_space<vmem>>, vector<16xf32>,
    %swap3A_129 = arith.constant 26 : i32
    %swap3A_130 = arith.index_cast %swap3A_129 : i32 to index
    %swap3A_131 = arith.constant 128 : index
    %swap3A_132 = tpu.vector_load %arg6[%swap3A_130, %swap3A_131] {strides = array<i32>} : memref<32x256xf32, #tpu.memory_space<vmem>>, vector<16xf32>,
    tpu.vector_store %arg6[%swap3A_130, %swap3A_131], %gather3A {strides = array<i32>} : memref<32x256xf32, #tpu.memory_space<vmem>>, vector<16xf32>,
    %swap3A_133 = arith.constant 27 : i32
    %swap3A_134 = arith.index_cast %swap3A_133 : i32 to index
    %swap3A_135 = arith.constant 128 : index
    %swap3A_136 = tpu.vector_load %arg6[%swap3A_134, %swap3A_135] {strides = array<i32>} : memref<32x256xf32, #tpu.memory_space<vmem>>, vector<16xf32>,
    tpu.vector_store %arg6[%swap3A_134, %swap3A_135], %gather3A {strides = array<i32>} : memref<32x256xf32, #tpu.memory_space<vmem>>, vector<16xf32>,
    %swap3A_137 = arith.constant 28 : i32
    %swap3A_138 = arith.index_cast %swap3A_137 : i32 to index
    %swap3A_139 = arith.constant 128 : index
    %swap3A_140 = tpu.vector_load %arg6[%swap3A_138, %swap3A_139] {strides = array<i32>} : memref<32x256xf32, #tpu.memory_space<vmem>>, vector<16xf32>,
    tpu.vector_store %arg6[%swap3A_138, %swap3A_139], %gather3A {strides = array<i32>} : memref<32x256xf32, #tpu.memory_space<vmem>>, vector<16xf32>,
    %swap3A_141 = arith.constant 29 : i32
    %swap3A_142 = arith.index_cast %swap3A_141 : i32 to index
    %swap3A_143 = arith.constant 128 : index
    %swap3A_144 = tpu.vector_load %arg6[%swap3A_142, %swap3A_143] {strides = array<i32>} : memref<32x256xf32, #tpu.memory_space<vmem>>, vector<16xf32>,
    tpu.vector_store %arg6[%swap3A_142, %swap3A_143], %gather3A {strides = array<i32>} : memref<32x256xf32, #tpu.memory_space<vmem>>, vector<16xf32>,
    %swap3A_145 = arith.constant 30 : i32
    %swap3A_146 = arith.index_cast %swap3A_145 : i32 to index
    %swap3A_147 = arith.constant 128 : index
    %swap3A_148 = tpu.vector_load %arg6[%swap3A_146, %swap3A_147] {strides = array<i32>} : memref<32x256xf32, #tpu.memory_space<vmem>>, vector<16xf32>,
    tpu.vector_store %arg6[%swap3A_146, %swap3A_147], %gather3A {strides = array<i32>} : memref<32x256xf32, #tpu.memory_space<vmem>>, vector<16xf32>,
    %swap3A_149 = arith.constant 31 : i32
    %swap3A_150 = arith.index_cast %swap3A_149 : i32 to index
    %swap3A_151 = arith.constant 128 : index
    %swap3A_152 = tpu.vector_load %arg6[%swap3A_150, %swap3A_151] {strides = array<i32>} : memref<32x256xf32, #tpu.memory_space<vmem>>, vector<16xf32>,
    tpu.vector_store %arg6[%swap3A_150, %swap3A_151], %gather3A {strides = array<i32>} : memref<32x256xf32, #tpu.memory_space<vmem>>, vector<16xf32>,
    %iota3A_153 = tpu.iota {dimensions = array<i32: 0>} : vector<16xi32>
    %add3A_154 = arith.constant 16 : i32
    %add3A_155 = vector.broadcast %add3A_154 : i32 to vector<16xi32>
    %add3A_156 = arith.addi %add3A_155, %iota3A_153 : vector<16xi32>
    %gather3A_157 = tpu.vector_load_idx %arg5[%broadcast_in_dim3A, %add3A_156] : memref<32x128xf32, #tpu.memory_space<vmem>>[vector<16xi32>, vector<16xi32>], vector<16xf32>,
    %swap3A_158 = arith.constant 0 : i32
    %swap3A_159 = arith.index_cast %swap3A_158 : i32 to index
    %swap3A_160 = arith.constant 144 : index
    %swap3A_161 = tpu.vector_load %arg6[%swap3A_159, %swap3A_160] {strides = array<i32>} : memref<32x256xf32, #tpu.memory_space<vmem>>, vector<16xf32>,
    tpu.vector_store %arg6[%swap3A_159, %swap3A_160], %gather3A_157 {strides = array<i32>} : memref<32x256xf32, #tpu.memory_space<vmem>>, vector<16xf32>,
    %swap3A_162 = arith.constant 1 : i32
    %swap3A_163 = arith.index_cast %swap3A_162 : i32 to index
    %swap3A_164 = arith.constant 144 : index
    %swap3A_165 = tpu.vector_load %arg6[%swap3A_163, %swap3A_164] {strides = array<i32>} : memref<32x256xf32, #tpu.memory_space<vmem>>, vector<16xf32>,
    tpu.vector_store %arg6[%swap3A_163, %swap3A_164], %gather3A_157 {strides = array<i32>} : memref<32x256xf32, #tpu.memory_space<vmem>>, vector<16xf32>,
    %swap3A_166 = arith.constant 2 : i32
    %swap3A_167 = arith.index_cast %swap3A_166 : i32 to index
    %swap3A_168 = arith.constant 144 : index
    %swap3A_169 = tpu.vector_load %arg6[%swap3A_167, %swap3A_168] {strides = array<i32>} : memref<32x256xf32, #tpu.memory_space<vmem>>, vector<16xf32>,
    tpu.vector_store %arg6[%swap3A_167, %swap3A_168], %gather3A_157 {strides = array<i32>} : memref<32x256xf32, #tpu.memory_space<vmem>>, vector<16xf32>,
    %swap3A_170 = arith.constant 3 : i32
    %swap3A_171 = arith.index_cast %swap3A_170 : i32 to index
    %swap3A_172 = arith.constant 144 : index
    %swap3A_173 = tpu.vector_load %arg6[%swap3A_171, %swap3A_172] {strides = array<i32>} : memref<32x256xf32, #tpu.memory_space<vmem>>, vector<16xf32>,
    tpu.vector_store %arg6[%swap3A_171, %swap3A_172], %gather3A_157 {strides = array<i32>} : memref<32x256xf32, #tpu.memory_space<vmem>>, vector<16xf32>,
    %swap3A_174 = arith.constant 4 : i32
    %swap3A_175 = arith.index_cast %swap3A_174 : i32 to index
    %swap3A_176 = arith.constant 144 : index
    %swap3A_177 = tpu.vector_load %arg6[%swap3A_175, %swap3A_176] {strides = array<i32>} : memref<32x256xf32, #tpu.memory_space<vmem>>, vector<16xf32>,
    tpu.vector_store %arg6[%swap3A_175, %swap3A_176], %gather3A_157 {strides = array<i32>} : memref<32x256xf32, #tpu.memory_space<vmem>>, vector<16xf32>,
    %swap3A_178 = arith.constant 5 : i32
    %swap3A_179 = arith.index_cast %swap3A_178 : i32 to index
    %swap3A_180 = arith.constant 144 : index
    %swap3A_181 = tpu.vector_load %arg6[%swap3A_179, %swap3A_180] {strides = array<i32>} : memref<32x256xf32, #tpu.memory_space<vmem>>, vector<16xf32>,
    tpu.vector_store %arg6[%swap3A_179, %swap3A_180], %gather3A_157 {strides = array<i32>} : memref<32x256xf32, #tpu.memory_space<vmem>>, vector<16xf32>,
    %swap3A_182 = arith.constant 6 : i32
    %swap3A_183 = arith.index_cast %swap3A_182 : i32 to index
    %swap3A_184 = arith.constant 144 : index
    %swap3A_185 = tpu.vector_load %arg6[%swap3A_183, %swap3A_184] {strides = array<i32>} : memref<32x256xf32, #tpu.memory_space<vmem>>, vector<16xf32>,
    tpu.vector_store %arg6[%swap3A_183, %swap3A_184], %gather3A_157 {strides = array<i32>} : memref<32x256xf32, #tpu.memory_space<vmem>>, vector<16xf32>,
    %swap3A_186 = arith.constant 7 : i32
    %swap3A_187 = arith.index_cast %swap3A_186 : i32 to index
    %swap3A_188 = arith.constant 144 : index
    %swap3A_189 = tpu.vector_load %arg6[%swap3A_187, %swap3A_188] {strides = array<i32>} : memref<32x256xf32, #tpu.memory_space<vmem>>, vector<16xf32>,
    tpu.vector_store %arg6[%swap3A_187, %swap3A_188], %gather3A_157 {strides = array<i32>} : memref<32x256xf32, #tpu.memory_space<vmem>>, vector<16xf32>,
    %swap3A_190 = arith.constant 8 : i32
    %swap3A_191 = arith.index_cast %swap3A_190 : i32 to index
    %swap3A_192 = arith.constant 144 : index
    %swap3A_193 = tpu.vector_load %arg6[%swap3A_191, %swap3A_192] {strides = array<i32>} : memref<32x256xf32, #tpu.memory_space<vmem>>, vector<16xf32>,
    tpu.vector_store %arg6[%swap3A_191, %swap3A_192], %gather3A_157 {strides = array<i32>} : memref<32x256xf32, #tpu.memory_space<vmem>>, vector<16xf32>,
    %swap3A_194 = arith.constant 9 : i32
    %swap3A_195 = arith.index_cast %swap3A_194 : i32 to index
    %swap3A_196 = arith.constant 144 : index
    %swap3A_197 = tpu.vector_load %arg6[%swap3A_195, %swap3A_196] {strides = array<i32>} : memref<32x256xf32, #tpu.memory_space<vmem>>, vector<16xf32>,
    tpu.vector_store %arg6[%swap3A_195, %swap3A_196], %gather3A_157 {strides = array<i32>} : memref<32x256xf32, #tpu.memory_space<vmem>>, vector<16xf32>,
    %swap3A_198 = arith.constant 10 : i32
    %swap3A_199 = arith.index_cast %swap3A_198 : i32 to index
    %swap3A_200 = arith.constant 144 : index
    %swap3A_201 = tpu.vector_load %arg6[%swap3A_199, %swap3A_200] {strides = array<i32>} : memref<32x256xf32, #tpu.memory_space<vmem>>, vector<16xf32>,
    tpu.vector_store %arg6[%swap3A_199, %swap3A_200], %gather3A_157 {strides = array<i32>} : memref<32x256xf32, #tpu.memory_space<vmem>>, vector<16xf32>,
    %swap3A_202 = arith.constant 11 : i32
    %swap3A_203 = arith.index_cast %swap3A_202 : i32 to index
    %swap3A_204 = arith.constant 144 : index
    %swap3A_205 = tpu.vector_load %arg6[%swap3A_203, %swap3A_204] {strides = array<i32>} : memref<32x256xf32, #tpu.memory_space<vmem>>, vector<16xf32>,
    tpu.vector_store %arg6[%swap3A_203, %swap3A_204], %gather3A_157 {strides = array<i32>} : memref<32x256xf32, #tpu.memory_space<vmem>>, vector<16xf32>,
    %swap3A_206 = arith.constant 12 : i32
    %swap3A_207 = arith.index_cast %swap3A_206 : i32 to index
    %swap3A_208 = arith.constant 144 : index
    %swap3A_209 = tpu.vector_load %arg6[%swap3A_207, %swap3A_208] {strides = array<i32>} : memref<32x256xf32, #tpu.memory_space<vmem>>, vector<16xf32>,
    tpu.vector_store %arg6[%swap3A_207, %swap3A_208], %gather3A_157 {strides = array<i32>} : memref<32x256xf32, #tpu.memory_space<vmem>>, vector<16xf32>,
    %swap3A_210 = arith.constant 13 : i32
    %swap3A_211 = arith.index_cast %swap3A_210 : i32 to index
    %swap3A_212 = arith.constant 144 : index
    %swap3A_213 = tpu.vector_load %arg6[%swap3A_211, %swap3A_212] {strides = array<i32>} : memref<32x256xf32, #tpu.memory_space<vmem>>, vector<16xf32>,
    tpu.vector_store %arg6[%swap3A_211, %swap3A_212], %gather3A_157 {strides = array<i32>} : memref<32x256xf32, #tpu.memory_space<vmem>>, vector<16xf32>,
    %swap3A_214 = arith.constant 14 : i32
    %swap3A_215 = arith.index_cast %swap3A_214 : i32 to index
    %swap3A_216 = arith.constant 144 : index
    %swap3A_217 = tpu.vector_load %arg6[%swap3A_215, %swap3A_216] {strides = array<i32>} : memref<32x256xf32, #tpu.memory_space<vmem>>, vector<16xf32>,
    tpu.vector_store %arg6[%swap3A_215, %swap3A_216], %gather3A_157 {strides = array<i32>} : memref<32x256xf32, #tpu.memory_space<vmem>>, vector<16xf32>,
    %swap3A_218 = arith.constant 15 : i32
    %swap3A_219 = arith.index_cast %swap3A_218 : i32 to index
    %swap3A_220 = arith.constant 144 : index
    %swap3A_221 = tpu.vector_load %arg6[%swap3A_219, %swap3A_220] {strides = array<i32>} : memref<32x256xf32, #tpu.memory_space<vmem>>, vector<16xf32>,
    tpu.vector_store %arg6[%swap3A_219, %swap3A_220], %gather3A_157 {strides = array<i32>} : memref<32x256xf32, #tpu.memory_space<vmem>>, vector<16xf32>,
    %swap3A_222 = arith.constant 16 : i32
    %swap3A_223 = arith.index_cast %swap3A_222 : i32 to index
    %swap3A_224 = arith.constant 144 : index
    %swap3A_225 = tpu.vector_load %arg6[%swap3A_223, %swap3A_224] {strides = array<i32>} : memref<32x256xf32, #tpu.memory_space<vmem>>, vector<16xf32>,
    tpu.vector_store %arg6[%swap3A_223, %swap3A_224], %gather3A_157 {strides = array<i32>} : memref<32x256xf32, #tpu.memory_space<vmem>>, vector<16xf32>,
    %swap3A_226 = arith.constant 17 : i32
    %swap3A_227 = arith.index_cast %swap3A_226 : i32 to index
    %swap3A_228 = arith.constant 144 : index
    %swap3A_229 = tpu.vector_load %arg6[%swap3A_227, %swap3A_228] {strides = array<i32>} : memref<32x256xf32, #tpu.memory_space<vmem>>, vector<16xf32>,
    tpu.vector_store %arg6[%swap3A_227, %swap3A_228], %gather3A_157 {strides = array<i32>} : memref<32x256xf32, #tpu.memory_space<vmem>>, vector<16xf32>,
    %swap3A_230 = arith.constant 18 : i32
    %swap3A_231 = arith.index_cast %swap3A_230 : i32 to index
    %swap3A_232 = arith.constant 144 : index
    %swap3A_233 = tpu.vector_load %arg6[%swap3A_231, %swap3A_232] {strides = array<i32>} : memref<32x256xf32, #tpu.memory_space<vmem>>, vector<16xf32>,
    tpu.vector_store %arg6[%swap3A_231, %swap3A_232], %gather3A_157 {strides = array<i32>} : memref<32x256xf32, #tpu.memory_space<vmem>>, vector<16xf32>,
    %swap3A_234 = arith.constant 19 : i32
    %swap3A_235 = arith.index_cast %swap3A_234 : i32 to index
    %swap3A_236 = arith.constant 144 : index
    %swap3A_237 = tpu.vector_load %arg6[%swap3A_235, %swap3A_236] {strides = array<i32>} : memref<32x256xf32, #tpu.memory_space<vmem>>, vector<16xf32>,
    tpu.vector_store %arg6[%swap3A_235, %swap3A_236], %gather3A_157 {strides = array<i32>} : memref<32x256xf32, #tpu.memory_space<vmem>>, vector<16xf32>,
    %swap3A_238 = arith.constant 20 : i32
    %swap3A_239 = arith.index_cast %swap3A_238 : i32 to index
    %swap3A_240 = arith.constant 144 : index
    %swap3A_241 = tpu.vector_load %arg6[%swap3A_239, %swap3A_240] {strides = array<i32>} : memref<32x256xf32, #tpu.memory_space<vmem>>, vector<16xf32>,
    tpu.vector_store %arg6[%swap3A_239, %swap3A_240], %gather3A_157 {strides = array<i32>} : memref<32x256xf32, #tpu.memory_space<vmem>>, vector<16xf32>,
    %swap3A_242 = arith.constant 21 : i32
    %swap3A_243 = arith.index_cast %swap3A_242 : i32 to index
    %swap3A_244 = arith.constant 144 : index
    %swap3A_245 = tpu.vector_load %arg6[%swap3A_243, %swap3A_244] {strides = array<i32>} : memref<32x256xf32, #tpu.memory_space<vmem>>, vector<16xf32>,
    tpu.vector_store %arg6[%swap3A_243, %swap3A_244], %gather3A_157 {strides = array<i32>} : memref<32x256xf32, #tpu.memory_space<vmem>>, vector<16xf32>,
    %swap3A_246 = arith.constant 22 : i32
    %swap3A_247 = arith.index_cast %swap3A_246 : i32 to index
    %swap3A_248 = arith.constant 144 : index
    %swap3A_249 = tpu.vector_load %arg6[%swap3A_247, %swap3A_248] {strides = array<i32>} : memref<32x256xf32, #tpu.memory_space<vmem>>, vector<16xf32>,
    tpu.vector_store %arg6[%swap3A_247, %swap3A_248], %gather3A_157 {strides = array<i32>} : memref<32x256xf32, #tpu.memory_space<vmem>>, vector<16xf32>,
    %swap3A_250 = arith.constant 23 : i32
    %swap3A_251 = arith.index_cast %swap3A_250 : i32 to index
    %swap3A_252 = arith.constant 144 : index
    %swap3A_253 = tpu.vector_load %arg6[%swap3A_251, %swap3A_252] {strides = array<i32>} : memref<32x256xf32, #tpu.memory_space<vmem>>, vector<16xf32>,
    tpu.vector_store %arg6[%swap3A_251, %swap3A_252], %gather3A_157 {strides = array<i32>} : memref<32x256xf32, #tpu.memory_space<vmem>>, vector<16xf32>,
    %swap3A_254 = arith.constant 24 : i32
    %swap3A_255 = arith.index_cast %swap3A_254 : i32 to index
    %swap3A_256 = arith.constant 144 : index
    %swap3A_257 = tpu.vector_load %arg6[%swap3A_255, %swap3A_256] {strides = array<i32>} : memref<32x256xf32, #tpu.memory_space<vmem>>, vector<16xf32>,
    tpu.vector_store %arg6[%swap3A_255, %swap3A_256], %gather3A_157 {strides = array<i32>} : memref<32x256xf32, #tpu.memory_space<vmem>>, vector<16xf32>,
    %swap3A_258 = arith.constant 25 : i32
    %swap3A_259 = arith.index_cast %swap3A_258 : i32 to index
    %swap3A_260 = arith.constant 144 : index
    %swap3A_261 = tpu.vector_load %arg6[%swap3A_259, %swap3A_260] {strides = array<i32>} : memref<32x256xf32, #tpu.memory_space<vmem>>, vector<16xf32>,
    tpu.vector_store %arg6[%swap3A_259, %swap3A_260], %gather3A_157 {strides = array<i32>} : memref<32x256xf32, #tpu.memory_space<vmem>>, vector<16xf32>,
    %swap3A_262 = arith.constant 26 : i32
    %swap3A_263 = arith.index_cast %swap3A_262 : i32 to index
    %swap3A_264 = arith.constant 144 : index
    %swap3A_265 = tpu.vector_load %arg6[%swap3A_263, %swap3A_264] {strides = array<i32>} : memref<32x256xf32, #tpu.memory_space<vmem>>, vector<16xf32>,
    tpu.vector_store %arg6[%swap3A_263, %swap3A_264], %gather3A_157 {strides = array<i32>} : memref<32x256xf32, #tpu.memory_space<vmem>>, vector<16xf32>,
    %swap3A_266 = arith.constant 27 : i32
    %swap3A_267 = arith.index_cast %swap3A_266 : i32 to index
    %swap3A_268 = arith.constant 144 : index
    %swap3A_269 = tpu.vector_load %arg6[%swap3A_267, %swap3A_268] {strides = array<i32>} : memref<32x256xf32, #tpu.memory_space<vmem>>, vector<16xf32>,
    tpu.vector_store %arg6[%swap3A_267, %swap3A_268], %gather3A_157 {strides = array<i32>} : memref<32x256xf32, #tpu.memory_space<vmem>>, vector<16xf32>,
    %swap3A_270 = arith.constant 28 : i32
    %swap3A_271 = arith.index_cast %swap3A_270 : i32 to index
    %swap3A_272 = arith.constant 144 : index
    %swap3A_273 = tpu.vector_load %arg6[%swap3A_271, %swap3A_272] {strides = array<i32>} : memref<32x256xf32, #tpu.memory_space<vmem>>, vector<16xf32>,
    tpu.vector_store %arg6[%swap3A_271, %swap3A_272], %gather3A_157 {strides = array<i32>} : memref<32x256xf32, #tpu.memory_space<vmem>>, vector<16xf32>,
    %swap3A_274 = arith.constant 29 : i32
    %swap3A_275 = arith.index_cast %swap3A_274 : i32 to index
    %swap3A_276 = arith.constant 144 : index
    %swap3A_277 = tpu.vector_load %arg6[%swap3A_275, %swap3A_276] {strides = array<i32>} : memref<32x256xf32, #tpu.memory_space<vmem>>, vector<16xf32>,
    tpu.vector_store %arg6[%swap3A_275, %swap3A_276], %gather3A_157 {strides = array<i32>} : memref<32x256xf32, #tpu.memory_space<vmem>>, vector<16xf32>,
    %swap3A_278 = arith.constant 30 : i32
    %swap3A_279 = arith.index_cast %swap3A_278 : i32 to index
    %swap3A_280 = arith.constant 144 : index
    %swap3A_281 = tpu.vector_load %arg6[%swap3A_279, %swap3A_280] {strides = array<i32>} : memref<32x256xf32, #tpu.memory_space<vmem>>, vector<16xf32>,
    tpu.vector_store %arg6[%swap3A_279, %swap3A_280], %gather3A_157 {strides = array<i32>} : memref<32x256xf32, #tpu.memory_space<vmem>>, vector<16xf32>,
    %swap3A_282 = arith.constant 31 : i32
    %swap3A_283 = arith.index_cast %swap3A_282 : i32 to index
    %swap3A_284 = arith.constant 144 : index
    %swap3A_285 = tpu.vector_load %arg6[%swap3A_283, %swap3A_284] {strides = array<i32>} : memref<32x256xf32, #tpu.memory_space<vmem>>, vector<16xf32>,
    tpu.vector_store %arg6[%swap3A_283, %swap3A_284], %gather3A_157 {strides = array<i32>} : memref<32x256xf32, #tpu.memory_space<vmem>>, vector<16xf32>,
    %iota3A_286 = tpu.iota {dimensions = array<i32: 0>} : vector<16xi32>
    %add3A_287 = arith.constant 32 : i32
    %add3A_288 = vector.broadcast %add3A_287 : i32 to vector<16xi32>
    %add3A_289 = arith.addi %add3A_288, %iota3A_286 : vector<16xi32>
    %gather3A_290 = tpu.vector_load_idx %arg5[%broadcast_in_dim3A, %add3A_289] : memref<32x128xf32, #tpu.memory_space<vmem>>[vector<16xi32>, vector<16xi32>], vector<16xf32>,
    %swap3A_291 = arith.constant 0 : i32
    %swap3A_292 = arith.index_cast %swap3A_291 : i32 to index
    %swap3A_293 = arith.constant 160 : index
    %swap3A_294 = tpu.vector_load %arg6[%swap3A_292, %swap3A_293] {strides = array<i32>} : memref<32x256xf32, #tpu.memory_space<vmem>>, vector<16xf32>,
    tpu.vector_store %arg6[%swap3A_292, %swap3A_293], %gather3A_290 {strides = array<i32>} : memref<32x256xf32, #tpu.memory_space<vmem>>, vector<16xf32>,
    %swap3A_295 = arith.constant 1 : i32
    %swap3A_296 = arith.index_cast %swap3A_295 : i32 to index
    %swap3A_297 = arith.constant 160 : index
    %swap3A_298 = tpu.vector_load %arg6[%swap3A_296, %swap3A_297] {strides = array<i32>} : memref<32x256xf32, #tpu.memory_space<vmem>>, vector<16xf32>,
    tpu.vector_store %arg6[%swap3A_296, %swap3A_297], %gather3A_290 {strides = array<i32>} : memref<32x256xf32, #tpu.memory_space<vmem>>, vector<16xf32>,
    %swap3A_299 = arith.constant 2 : i32
    %swap3A_300 = arith.index_cast %swap3A_299 : i32 to index
    %swap3A_301 = arith.constant 160 : index
    %swap3A_302 = tpu.vector_load %arg6[%swap3A_300, %swap3A_301] {strides = array<i32>} : memref<32x256xf32, #tpu.memory_space<vmem>>, vector<16xf32>,
    tpu.vector_store %arg6[%swap3A_300, %swap3A_301], %gather3A_290 {strides = array<i32>} : memref<32x256xf32, #tpu.memory_space<vmem>>, vector<16xf32>,
    %swap3A_303 = arith.constant 3 : i32
    %swap3A_304 = arith.index_cast %swap3A_303 : i32 to index
    %swap3A_305 = arith.constant 160 : index
    %swap3A_306 = tpu.vector_load %arg6[%swap3A_304, %swap3A_305] {strides = array<i32>} : memref<32x256xf32, #tpu.memory_space<vmem>>, vector<16xf32>,
    tpu.vector_store %arg6[%swap3A_304, %swap3A_305], %gather3A_290 {strides = array<i32>} : memref<32x256xf32, #tpu.memory_space<vmem>>, vector<16xf32>,
    %swap3A_307 = arith.constant 4 : i32
    %swap3A_308 = arith.index_cast %swap3A_307 : i32 to index
    %swap3A_309 = arith.constant 160 : index
    %swap3A_310 = tpu.vector_load %arg6[%swap3A_308, %swap3A_309] {strides = array<i32>} : memref<32x256xf32, #tpu.memory_space<vmem>>, vector<16xf32>,
    tpu.vector_store %arg6[%swap3A_308, %swap3A_309], %gather3A_290 {strides = array<i32>} : memref<32x256xf32, #tpu.memory_space<vmem>>, vector<16xf32>,
    %swap3A_311 = arith.constant 5 : i32
    %swap3A_312 = arith.index_cast %swap3A_311 : i32 to index
    %swap3A_313 = arith.constant 160 : index
    %swap3A_314 = tpu.vector_load %arg6[%swap3A_312, %swap3A_313] {strides = array<i32>} : memref<32x256xf32, #tpu.memory_space<vmem>>, vector<16xf32>,
    tpu.vector_store %arg6[%swap3A_312, %swap3A_313], %gather3A_290 {strides = array<i32>} : memref<32x256xf32, #tpu.memory_space<vmem>>, vector<16xf32>,
    %swap3A_315 = arith.constant 6 : i32
    %swap3A_316 = arith.index_cast %swap3A_315 : i32 to index
    %swap3A_317 = arith.constant 160 : index
    %swap3A_318 = tpu.vector_load %arg6[%swap3A_316, %swap3A_317] {strides = array<i32>} : memref<32x256xf32, #tpu.memory_space<vmem>>, vector<16xf32>,
    tpu.vector_store %arg6[%swap3A_316, %swap3A_317], %gather3A_290 {strides = array<i32>} : memref<32x256xf32, #tpu.memory_space<vmem>>, vector<16xf32>,
    %swap3A_319 = arith.constant 7 : i32
    %swap3A_320 = arith.index_cast %swap3A_319 : i32 to index
    %swap3A_321 = arith.constant 160 : index
    %swap3A_322 = tpu.vector_load %arg6[%swap3A_320, %swap3A_321] {strides = array<i32>} : memref<32x256xf32, #tpu.memory_space<vmem>>, vector<16xf32>,
    tpu.vector_store %arg6[%swap3A_320, %swap3A_321], %gather3A_290 {strides = array<i32>} : memref<32x256xf32, #tpu.memory_space<vmem>>, vector<16xf32>,
    %swap3A_323 = arith.constant 8 : i32
    %swap3A_324 = arith.index_cast %swap3A_323 : i32 to index
    %swap3A_325 = arith.constant 160 : index
    %swap3A_326 = tpu.vector_load %arg6[%swap3A_324, %swap3A_325] {strides = array<i32>} : memref<32x256xf32, #tpu.memory_space<vmem>>, vector<16xf32>,
    tpu.vector_store %arg6[%swap3A_324, %swap3A_325], %gather3A_290 {strides = array<i32>} : memref<32x256xf32, #tpu.memory_space<vmem>>, vector<16xf32>,
    %swap3A_327 = arith.constant 9 : i32
    %swap3A_328 = arith.index_cast %swap3A_327 : i32 to index
    %swap3A_329 = arith.constant 160 : index
    %swap3A_330 = tpu.vector_load %arg6[%swap3A_328, %swap3A_329] {strides = array<i32>} : memref<32x256xf32, #tpu.memory_space<vmem>>, vector<16xf32>,
    tpu.vector_store %arg6[%swap3A_328, %swap3A_329], %gather3A_290 {strides = array<i32>} : memref<32x256xf32, #tpu.memory_space<vmem>>, vector<16xf32>,
    %swap3A_331 = arith.constant 10 : i32
    %swap3A_332 = arith.index_cast %swap3A_331 : i32 to index
    %swap3A_333 = arith.constant 160 : index
    %swap3A_334 = tpu.vector_load %arg6[%swap3A_332, %swap3A_333] {strides = array<i32>} : memref<32x256xf32, #tpu.memory_space<vmem>>, vector<16xf32>,
    tpu.vector_store %arg6[%swap3A_332, %swap3A_333], %gather3A_290 {strides = array<i32>} : memref<32x256xf32, #tpu.memory_space<vmem>>, vector<16xf32>,
    %swap3A_335 = arith.constant 11 : i32
    %swap3A_336 = arith.index_cast %swap3A_335 : i32 to index
    %swap3A_337 = arith.constant 160 : index
    %swap3A_338 = tpu.vector_load %arg6[%swap3A_336, %swap3A_337] {strides = array<i32>} : memref<32x256xf32, #tpu.memory_space<vmem>>, vector<16xf32>,
    tpu.vector_store %arg6[%swap3A_336, %swap3A_337], %gather3A_290 {strides = array<i32>} : memref<32x256xf32, #tpu.memory_space<vmem>>, vector<16xf32>,
    %swap3A_339 = arith.constant 12 : i32
    %swap3A_340 = arith.index_cast %swap3A_339 : i32 to index
    %swap3A_341 = arith.constant 160 : index
    %swap3A_342 = tpu.vector_load %arg6[%swap3A_340, %swap3A_341] {strides = array<i32>} : memref<32x256xf32, #tpu.memory_space<vmem>>, vector<16xf32>,
    tpu.vector_store %arg6[%swap3A_340, %swap3A_341], %gather3A_290 {strides = array<i32>} : memref<32x256xf32, #tpu.memory_space<vmem>>, vector<16xf32>,
    %swap3A_343 = arith.constant 13 : i32
    %swap3A_344 = arith.index_cast %swap3A_343 : i32 to index
    %swap3A_345 = arith.constant 160 : index
    %swap3A_346 = tpu.vector_load %arg6[%swap3A_344, %swap3A_345] {strides = array<i32>} : memref<32x256xf32, #tpu.memory_space<vmem>>, vector<16xf32>,
    tpu.vector_store %arg6[%swap3A_344, %swap3A_345], %gather3A_290 {strides = array<i32>} : memref<32x256xf32, #tpu.memory_space<vmem>>, vector<16xf32>,
    %swap3A_347 = arith.constant 14 : i32
    %swap3A_348 = arith.index_cast %swap3A_347 : i32 to index
    %swap3A_349 = arith.constant 160 : index
    %swap3A_350 = tpu.vector_load %arg6[%swap3A_348, %swap3A_349] {strides = array<i32>} : memref<32x256xf32, #tpu.memory_space<vmem>>, vector<16xf32>,
    tpu.vector_store %arg6[%swap3A_348, %swap3A_349], %gather3A_290 {strides = array<i32>} : memref<32x256xf32, #tpu.memory_space<vmem>>, vector<16xf32>,
    %swap3A_351 = arith.constant 15 : i32
    %swap3A_352 = arith.index_cast %swap3A_351 : i32 to index
    %swap3A_353 = arith.constant 160 : index
    %swap3A_354 = tpu.vector_load %arg6[%swap3A_352, %swap3A_353] {strides = array<i32>} : memref<32x256xf32, #tpu.memory_space<vmem>>, vector<16xf32>,
    tpu.vector_store %arg6[%swap3A_352, %swap3A_353], %gather3A_290 {strides = array<i32>} : memref<32x256xf32, #tpu.memory_space<vmem>>, vector<16xf32>,
    %swap3A_355 = arith.constant 16 : i32
    %swap3A_356 = arith.index_cast %swap3A_355 : i32 to index
    %swap3A_357 = arith.constant 160 : index
    %swap3A_358 = tpu.vector_load %arg6[%swap3A_356, %swap3A_357] {strides = array<i32>} : memref<32x256xf32, #tpu.memory_space<vmem>>, vector<16xf32>,
    tpu.vector_store %arg6[%swap3A_356, %swap3A_357], %gather3A_290 {strides = array<i32>} : memref<32x256xf32, #tpu.memory_space<vmem>>, vector<16xf32>,
    %swap3A_359 = arith.constant 17 : i32
    %swap3A_360 = arith.index_cast %swap3A_359 : i32 to index
    %swap3A_361 = arith.constant 160 : index
    %swap3A_362 = tpu.vector_load %arg6[%swap3A_360, %swap3A_361] {strides = array<i32>} : memref<32x256xf32, #tpu.memory_space<vmem>>, vector<16xf32>,
    tpu.vector_store %arg6[%swap3A_360, %swap3A_361], %gather3A_290 {strides = array<i32>} : memref<32x256xf32, #tpu.memory_space<vmem>>, vector<16xf32>,
    %swap3A_363 = arith.constant 18 : i32
    %swap3A_364 = arith.index_cast %swap3A_363 : i32 to index
    %swap3A_365 = arith.constant 160 : index
    %swap3A_366 = tpu.vector_load %arg6[%swap3A_364, %swap3A_365] {strides = array<i32>} : memref<32x256xf32, #tpu.memory_space<vmem>>, vector<16xf32>,
    tpu.vector_store %arg6[%swap3A_364, %swap3A_365], %gather3A_290 {strides = array<i32>} : memref<32x256xf32, #tpu.memory_space<vmem>>, vector<16xf32>,
    %swap3A_367 = arith.constant 19 : i32
    %swap3A_368 = arith.index_cast %swap3A_367 : i32 to index
    %swap3A_369 = arith.constant 160 : index
    %swap3A_370 = tpu.vector_load %arg6[%swap3A_368, %swap3A_369] {strides = array<i32>} : memref<32x256xf32, #tpu.memory_space<vmem>>, vector<16xf32>,
    tpu.vector_store %arg6[%swap3A_368, %swap3A_369], %gather3A_290 {strides = array<i32>} : memref<32x256xf32, #tpu.memory_space<vmem>>, vector<16xf32>,
    %swap3A_371 = arith.constant 20 : i32
    %swap3A_372 = arith.index_cast %swap3A_371 : i32 to index
    %swap3A_373 = arith.constant 160 : index
    %swap3A_374 = tpu.vector_load %arg6[%swap3A_372, %swap3A_373] {strides = array<i32>} : memref<32x256xf32, #tpu.memory_space<vmem>>, vector<16xf32>,
    tpu.vector_store %arg6[%swap3A_372, %swap3A_373], %gather3A_290 {strides = array<i32>} : memref<32x256xf32, #tpu.memory_space<vmem>>, vector<16xf32>,
    %swap3A_375 = arith.constant 21 : i32
    %swap3A_376 = arith.index_cast %swap3A_375 : i32 to index
    %swap3A_377 = arith.constant 160 : index
    %swap3A_378 = tpu.vector_load %arg6[%swap3A_376, %swap3A_377] {strides = array<i32>} : memref<32x256xf32, #tpu.memory_space<vmem>>, vector<16xf32>,
    tpu.vector_store %arg6[%swap3A_376, %swap3A_377], %gather3A_290 {strides = array<i32>} : memref<32x256xf32, #tpu.memory_space<vmem>>, vector<16xf32>,
    %swap3A_379 = arith.constant 22 : i32
    %swap3A_380 = arith.index_cast %swap3A_379 : i32 to index
    %swap3A_381 = arith.constant 160 : index
    %swap3A_382 = tpu.vector_load %arg6[%swap3A_380, %swap3A_381] {strides = array<i32>} : memref<32x256xf32, #tpu.memory_space<vmem>>, vector<16xf32>,
    tpu.vector_store %arg6[%swap3A_380, %swap3A_381], %gather3A_290 {strides = array<i32>} : memref<32x256xf32, #tpu.memory_space<vmem>>, vector<16xf32>,
    %swap3A_383 = arith.constant 23 : i32
    %swap3A_384 = arith.index_cast %swap3A_383 : i32 to index
    %swap3A_385 = arith.constant 160 : index
    %swap3A_386 = tpu.vector_load %arg6[%swap3A_384, %swap3A_385] {strides = array<i32>} : memref<32x256xf32, #tpu.memory_space<vmem>>, vector<16xf32>,
    tpu.vector_store %arg6[%swap3A_384, %swap3A_385], %gather3A_290 {strides = array<i32>} : memref<32x256xf32, #tpu.memory_space<vmem>>, vector<16xf32>,
    %swap3A_387 = arith.constant 24 : i32
    %swap3A_388 = arith.index_cast %swap3A_387 : i32 to index
    %swap3A_389 = arith.constant 160 : index
    %swap3A_390 = tpu.vector_load %arg6[%swap3A_388, %swap3A_389] {strides = array<i32>} : memref<32x256xf32, #tpu.memory_space<vmem>>, vector<16xf32>,
    tpu.vector_store %arg6[%swap3A_388, %swap3A_389], %gather3A_290 {strides = array<i32>} : memref<32x256xf32, #tpu.memory_space<vmem>>, vector<16xf32>,
    %swap3A_391 = arith.constant 25 : i32
    %swap3A_392 = arith.index_cast %swap3A_391 : i32 to index
    %swap3A_393 = arith.constant 160 : index
    %swap3A_394 = tpu.vector_load %arg6[%swap3A_392, %swap3A_393] {strides = array<i32>} : memref<32x256xf32, #tpu.memory_space<vmem>>, vector<16xf32>,
    tpu.vector_store %arg6[%swap3A_392, %swap3A_393], %gather3A_290 {strides = array<i32>} : memref<32x256xf32, #tpu.memory_space<vmem>>, vector<16xf32>,
    %swap3A_395 = arith.constant 26 : i32
    %swap3A_396 = arith.index_cast %swap3A_395 : i32 to index
    %swap3A_397 = arith.constant 160 : index
    %swap3A_398 = tpu.vector_load %arg6[%swap3A_396, %swap3A_397] {strides = array<i32>} : memref<32x256xf32, #tpu.memory_space<vmem>>, vector<16xf32>,
    tpu.vector_store %arg6[%swap3A_396, %swap3A_397], %gather3A_290 {strides = array<i32>} : memref<32x256xf32, #tpu.memory_space<vmem>>, vector<16xf32>,
    %swap3A_399 = arith.constant 27 : i32
    %swap3A_400 = arith.index_cast %swap3A_399 : i32 to index
    %swap3A_401 = arith.constant 160 : index
    %swap3A_402 = tpu.vector_load %arg6[%swap3A_400, %swap3A_401] {strides = array<i32>} : memref<32x256xf32, #tpu.memory_space<vmem>>, vector<16xf32>,
    tpu.vector_store %arg6[%swap3A_400, %swap3A_401], %gather3A_290 {strides = array<i32>} : memref<32x256xf32, #tpu.memory_space<vmem>>, vector<16xf32>,
    %swap3A_403 = arith.constant 28 : i32
    %swap3A_404 = arith.index_cast %swap3A_403 : i32 to index
    %swap3A_405 = arith.constant 160 : index
    %swap3A_406 = tpu.vector_load %arg6[%swap3A_404, %swap3A_405] {strides = array<i32>} : memref<32x256xf32, #tpu.memory_space<vmem>>, vector<16xf32>,
    tpu.vector_store %arg6[%swap3A_404, %swap3A_405], %gather3A_290 {strides = array<i32>} : memref<32x256xf32, #tpu.memory_space<vmem>>, vector<16xf32>,
    %swap3A_407 = arith.constant 29 : i32
    %swap3A_408 = arith.index_cast %swap3A_407 : i32 to index
    %swap3A_409 = arith.constant 160 : index
    %swap3A_410 = tpu.vector_load %arg6[%swap3A_408, %swap3A_409] {strides = array<i32>} : memref<32x256xf32, #tpu.memory_space<vmem>>, vector<16xf32>,
    tpu.vector_store %arg6[%swap3A_408, %swap3A_409], %gather3A_290 {strides = array<i32>} : memref<32x256xf32, #tpu.memory_space<vmem>>, vector<16xf32>,
    %swap3A_411 = arith.constant 30 : i32
    %swap3A_412 = arith.index_cast %swap3A_411 : i32 to index
    %swap3A_413 = arith.constant 160 : index
    %swap3A_414 = tpu.vector_load %arg6[%swap3A_412, %swap3A_413] {strides = array<i32>} : memref<32x256xf32, #tpu.memory_space<vmem>>, vector<16xf32>,
    tpu.vector_store %arg6[%swap3A_412, %swap3A_413], %gather3A_290 {strides = array<i32>} : memref<32x256xf32, #tpu.memory_space<vmem>>, vector<16xf32>,
    %swap3A_415 = arith.constant 31 : i32
    %swap3A_416 = arith.index_cast %swap3A_415 : i32 to index
    %swap3A_417 = arith.constant 160 : index
    %swap3A_418 = tpu.vector_load %arg6[%swap3A_416, %swap3A_417] {strides = array<i32>} : memref<32x256xf32, #tpu.memory_space<vmem>>, vector<16xf32>,
    tpu.vector_store %arg6[%swap3A_416, %swap3A_417], %gather3A_290 {strides = array<i32>} : memref<32x256xf32, #tpu.memory_space<vmem>>, vector<16xf32>,
    %iota3A_419 = tpu.iota {dimensions = array<i32: 0>} : vector<16xi32>
    %add3A_420 = arith.constant 48 : i32
    %add3A_421 = vector.broadcast %add3A_420 : i32 to vector<16xi32>
    %add3A_422 = arith.addi %add3A_421, %iota3A_419 : vector<16xi32>
    %gather3A_423 = tpu.vector_load_idx %arg5[%broadcast_in_dim3A, %add3A_422] : memref<32x128xf32, #tpu.memory_space<vmem>>[vector<16xi32>, vector<16xi32>], vector<16xf32>,
    %swap3A_424 = arith.constant 0 : i32
    %swap3A_425 = arith.index_cast %swap3A_424 : i32 to index
    %swap3A_426 = arith.constant 176 : index
    %swap3A_427 = tpu.vector_load %arg6[%swap3A_425, %swap3A_426] {strides = array<i32>} : memref<32x256xf32, #tpu.memory_space<vmem>>, vector<16xf32>,
    tpu.vector_store %arg6[%swap3A_425, %swap3A_426], %gather3A_423 {strides = array<i32>} : memref<32x256xf32, #tpu.memory_space<vmem>>, vector<16xf32>,
    %swap3A_428 = arith.constant 1 : i32
    %swap3A_429 = arith.index_cast %swap3A_428 : i32 to index
    %swap3A_430 = arith.constant 176 : index
    %swap3A_431 = tpu.vector_load %arg6[%swap3A_429, %swap3A_430] {strides = array<i32>} : memref<32x256xf32, #tpu.memory_space<vmem>>, vector<16xf32>,
    tpu.vector_store %arg6[%swap3A_429, %swap3A_430], %gather3A_423 {strides = array<i32>} : memref<32x256xf32, #tpu.memory_space<vmem>>, vector<16xf32>,
    %swap3A_432 = arith.constant 2 : i32
    %swap3A_433 = arith.index_cast %swap3A_432 : i32 to index
    %swap3A_434 = arith.constant 176 : index
    %swap3A_435 = tpu.vector_load %arg6[%swap3A_433, %swap3A_434] {strides = array<i32>} : memref<32x256xf32, #tpu.memory_space<vmem>>, vector<16xf32>,
    tpu.vector_store %arg6[%swap3A_433, %swap3A_434], %gather3A_423 {strides = array<i32>} : memref<32x256xf32, #tpu.memory_space<vmem>>, vector<16xf32>,
    %swap3A_436 = arith.constant 3 : i32
    %swap3A_437 = arith.index_cast %swap3A_436 : i32 to index
    %swap3A_438 = arith.constant 176 : index
    %swap3A_439 = tpu.vector_load %arg6[%swap3A_437, %swap3A_438] {strides = array<i32>} : memref<32x256xf32, #tpu.memory_space<vmem>>, vector<16xf32>,
    tpu.vector_store %arg6[%swap3A_437, %swap3A_438], %gather3A_423 {strides = array<i32>} : memref<32x256xf32, #tpu.memory_space<vmem>>, vector<16xf32>,
    %swap3A_440 = arith.constant 4 : i32
    %swap3A_441 = arith.index_cast %swap3A_440 : i32 to index
    %swap3A_442 = arith.constant 176 : index
    %swap3A_443 = tpu.vector_load %arg6[%swap3A_441, %swap3A_442] {strides = array<i32>} : memref<32x256xf32, #tpu.memory_space<vmem>>, vector<16xf32>,
    tpu.vector_store %arg6[%swap3A_441, %swap3A_442], %gather3A_423 {strides = array<i32>} : memref<32x256xf32, #tpu.memory_space<vmem>>, vector<16xf32>,
    %swap3A_444 = arith.constant 5 : i32
    %swap3A_445 = arith.index_cast %swap3A_444 : i32 to index
    %swap3A_446 = arith.constant 176 : index
    %swap3A_447 = tpu.vector_load %arg6[%swap3A_445, %swap3A_446] {strides = array<i32>} : memref<32x256xf32, #tpu.memory_space<vmem>>, vector<16xf32>,
    tpu.vector_store %arg6[%swap3A_445, %swap3A_446], %gather3A_423 {strides = array<i32>} : memref<32x256xf32, #tpu.memory_space<vmem>>, vector<16xf32>,
    %swap3A_448 = arith.constant 6 : i32
    %swap3A_449 = arith.index_cast %swap3A_448 : i32 to index
    %swap3A_450 = arith.constant 176 : index
    %swap3A_451 = tpu.vector_load %arg6[%swap3A_449, %swap3A_450] {strides = array<i32>} : memref<32x256xf32, #tpu.memory_space<vmem>>, vector<16xf32>,
    tpu.vector_store %arg6[%swap3A_449, %swap3A_450], %gather3A_423 {strides = array<i32>} : memref<32x256xf32, #tpu.memory_space<vmem>>, vector<16xf32>,
    %swap3A_452 = arith.constant 7 : i32
    %swap3A_453 = arith.index_cast %swap3A_452 : i32 to index
    %swap3A_454 = arith.constant 176 : index
    %swap3A_455 = tpu.vector_load %arg6[%swap3A_453, %swap3A_454] {strides = array<i32>} : memref<32x256xf32, #tpu.memory_space<vmem>>, vector<16xf32>,
    tpu.vector_store %arg6[%swap3A_453, %swap3A_454], %gather3A_423 {strides = array<i32>} : memref<32x256xf32, #tpu.memory_space<vmem>>, vector<16xf32>,
    %swap3A_456 = arith.constant 8 : i32
    %swap3A_457 = arith.index_cast %swap3A_456 : i32 to index
    %swap3A_458 = arith.constant 176 : index
    %swap3A_459 = tpu.vector_load %arg6[%swap3A_457, %swap3A_458] {strides = array<i32>} : memref<32x256xf32, #tpu.memory_space<vmem>>, vector<16xf32>,
    tpu.vector_store %arg6[%swap3A_457, %swap3A_458], %gather3A_423 {strides = array<i32>} : memref<32x256xf32, #tpu.memory_space<vmem>>, vector<16xf32>,
    %swap3A_460 = arith.constant 9 : i32
    %swap3A_461 = arith.index_cast %swap3A_460 : i32 to index
    %swap3A_462 = arith.constant 176 : index
    %swap3A_463 = tpu.vector_load %arg6[%swap3A_461, %swap3A_462] {strides = array<i32>} : memref<32x256xf32, #tpu.memory_space<vmem>>, vector<16xf32>,
    tpu.vector_store %arg6[%swap3A_461, %swap3A_462], %gather3A_423 {strides = array<i32>} : memref<32x256xf32, #tpu.memory_space<vmem>>, vector<16xf32>,
    %swap3A_464 = arith.constant 10 : i32
    %swap3A_465 = arith.index_cast %swap3A_464 : i32 to index
    %swap3A_466 = arith.constant 176 : index
    %swap3A_467 = tpu.vector_load %arg6[%swap3A_465, %swap3A_466] {strides = array<i32>} : memref<32x256xf32, #tpu.memory_space<vmem>>, vector<16xf32>,
    tpu.vector_store %arg6[%swap3A_465, %swap3A_466], %gather3A_423 {strides = array<i32>} : memref<32x256xf32, #tpu.memory_space<vmem>>, vector<16xf32>,
    %swap3A_468 = arith.constant 11 : i32
    %swap3A_469 = arith.index_cast %swap3A_468 : i32 to index
    %swap3A_470 = arith.constant 176 : index
    %swap3A_471 = tpu.vector_load %arg6[%swap3A_469, %swap3A_470] {strides = array<i32>} : memref<32x256xf32, #tpu.memory_space<vmem>>, vector<16xf32>,
    tpu.vector_store %arg6[%swap3A_469, %swap3A_470], %gather3A_423 {strides = array<i32>} : memref<32x256xf32, #tpu.memory_space<vmem>>, vector<16xf32>,
    %swap3A_472 = arith.constant 12 : i32
    %swap3A_473 = arith.index_cast %swap3A_472 : i32 to index
    %swap3A_474 = arith.constant 176 : index
    %swap3A_475 = tpu.vector_load %arg6[%swap3A_473, %swap3A_474] {strides = array<i32>} : memref<32x256xf32, #tpu.memory_space<vmem>>, vector<16xf32>,
    tpu.vector_store %arg6[%swap3A_473, %swap3A_474], %gather3A_423 {strides = array<i32>} : memref<32x256xf32, #tpu.memory_space<vmem>>, vector<16xf32>,
    %swap3A_476 = arith.constant 13 : i32
    %swap3A_477 = arith.index_cast %swap3A_476 : i32 to index
    %swap3A_478 = arith.constant 176 : index
    %swap3A_479 = tpu.vector_load %arg6[%swap3A_477, %swap3A_478] {strides = array<i32>} : memref<32x256xf32, #tpu.memory_space<vmem>>, vector<16xf32>,
    tpu.vector_store %arg6[%swap3A_477, %swap3A_478], %gather3A_423 {strides = array<i32>} : memref<32x256xf32, #tpu.memory_space<vmem>>, vector<16xf32>,
    %swap3A_480 = arith.constant 14 : i32
    %swap3A_481 = arith.index_cast %swap3A_480 : i32 to index
    %swap3A_482 = arith.constant 176 : index
    %swap3A_483 = tpu.vector_load %arg6[%swap3A_481, %swap3A_482] {strides = array<i32>} : memref<32x256xf32, #tpu.memory_space<vmem>>, vector<16xf32>,
    tpu.vector_store %arg6[%swap3A_481, %swap3A_482], %gather3A_423 {strides = array<i32>} : memref<32x256xf32, #tpu.memory_space<vmem>>, vector<16xf32>,
    %swap3A_484 = arith.constant 15 : i32
    %swap3A_485 = arith.index_cast %swap3A_484 : i32 to index
    %swap3A_486 = arith.constant 176 : index
    %swap3A_487 = tpu.vector_load %arg6[%swap3A_485, %swap3A_486] {strides = array<i32>} : memref<32x256xf32, #tpu.memory_space<vmem>>, vector<16xf32>,
    tpu.vector_store %arg6[%swap3A_485, %swap3A_486], %gather3A_423 {strides = array<i32>} : memref<32x256xf32, #tpu.memory_space<vmem>>, vector<16xf32>,
    %swap3A_488 = arith.constant 16 : i32
    %swap3A_489 = arith.index_cast %swap3A_488 : i32 to index
    %swap3A_490 = arith.constant 176 : index
    %swap3A_491 = tpu.vector_load %arg6[%swap3A_489, %swap3A_490] {strides = array<i32>} : memref<32x256xf32, #tpu.memory_space<vmem>>, vector<16xf32>,
    tpu.vector_store %arg6[%swap3A_489, %swap3A_490], %gather3A_423 {strides = array<i32>} : memref<32x256xf32, #tpu.memory_space<vmem>>, vector<16xf32>,
    %swap3A_492 = arith.constant 17 : i32
    %swap3A_493 = arith.index_cast %swap3A_492 : i32 to index
    %swap3A_494 = arith.constant 176 : index
    %swap3A_495 = tpu.vector_load %arg6[%swap3A_493, %swap3A_494] {strides = array<i32>} : memref<32x256xf32, #tpu.memory_space<vmem>>, vector<16xf32>,
    tpu.vector_store %arg6[%swap3A_493, %swap3A_494], %gather3A_423 {strides = array<i32>} : memref<32x256xf32, #tpu.memory_space<vmem>>, vector<16xf32>,
    %swap3A_496 = arith.constant 18 : i32
    %swap3A_497 = arith.index_cast %swap3A_496 : i32 to index
    %swap3A_498 = arith.constant 176 : index
    %swap3A_499 = tpu.vector_load %arg6[%swap3A_497, %swap3A_498] {strides = array<i32>} : memref<32x256xf32, #tpu.memory_space<vmem>>, vector<16xf32>,
    tpu.vector_store %arg6[%swap3A_497, %swap3A_498], %gather3A_423 {strides = array<i32>} : memref<32x256xf32, #tpu.memory_space<vmem>>, vector<16xf32>,
    %swap3A_500 = arith.constant 19 : i32
    %swap3A_501 = arith.index_cast %swap3A_500 : i32 to index
    %swap3A_502 = arith.constant 176 : index
    %swap3A_503 = tpu.vector_load %arg6[%swap3A_501, %swap3A_502] {strides = array<i32>} : memref<32x256xf32, #tpu.memory_space<vmem>>, vector<16xf32>,
    tpu.vector_store %arg6[%swap3A_501, %swap3A_502], %gather3A_423 {strides = array<i32>} : memref<32x256xf32, #tpu.memory_space<vmem>>, vector<16xf32>,
    %swap3A_504 = arith.constant 20 : i32
    %swap3A_505 = arith.index_cast %swap3A_504 : i32 to index
    %swap3A_506 = arith.constant 176 : index
    %swap3A_507 = tpu.vector_load %arg6[%swap3A_505, %swap3A_506] {strides = array<i32>} : memref<32x256xf32, #tpu.memory_space<vmem>>, vector<16xf32>,
    tpu.vector_store %arg6[%swap3A_505, %swap3A_506], %gather3A_423 {strides = array<i32>} : memref<32x256xf32, #tpu.memory_space<vmem>>, vector<16xf32>,
    %swap3A_508 = arith.constant 21 : i32
    %swap3A_509 = arith.index_cast %swap3A_508 : i32 to index
    %swap3A_510 = arith.constant 176 : index
    %swap3A_511 = tpu.vector_load %arg6[%swap3A_509, %swap3A_510] {strides = array<i32>} : memref<32x256xf32, #tpu.memory_space<vmem>>, vector<16xf32>,
    tpu.vector_store %arg6[%swap3A_509, %swap3A_510], %gather3A_423 {strides = array<i32>} : memref<32x256xf32, #tpu.memory_space<vmem>>, vector<16xf32>,
    %swap3A_512 = arith.constant 22 : i32
    %swap3A_513 = arith.index_cast %swap3A_512 : i32 to index
    %swap3A_514 = arith.constant 176 : index
    %swap3A_515 = tpu.vector_load %arg6[%swap3A_513, %swap3A_514] {strides = array<i32>} : memref<32x256xf32, #tpu.memory_space<vmem>>, vector<16xf32>,
    tpu.vector_store %arg6[%swap3A_513, %swap3A_514], %gather3A_423 {strides = array<i32>} : memref<32x256xf32, #tpu.memory_space<vmem>>, vector<16xf32>,
    %swap3A_516 = arith.constant 23 : i32
    %swap3A_517 = arith.index_cast %swap3A_516 : i32 to index
    %swap3A_518 = arith.constant 176 : index
    %swap3A_519 = tpu.vector_load %arg6[%swap3A_517, %swap3A_518] {strides = array<i32>} : memref<32x256xf32, #tpu.memory_space<vmem>>, vector<16xf32>,
    tpu.vector_store %arg6[%swap3A_517, %swap3A_518], %gather3A_423 {strides = array<i32>} : memref<32x256xf32, #tpu.memory_space<vmem>>, vector<16xf32>,
    %swap3A_520 = arith.constant 24 : i32
    %swap3A_521 = arith.index_cast %swap3A_520 : i32 to index
    %swap3A_522 = arith.constant 176 : index
    %swap3A_523 = tpu.vector_load %arg6[%swap3A_521, %swap3A_522] {strides = array<i32>} : memref<32x256xf32, #tpu.memory_space<vmem>>, vector<16xf32>,
    tpu.vector_store %arg6[%swap3A_521, %swap3A_522], %gather3A_423 {strides = array<i32>} : memref<32x256xf32, #tpu.memory_space<vmem>>, vector<16xf32>,
    %swap3A_524 = arith.constant 25 : i32
    %swap3A_525 = arith.index_cast %swap3A_524 : i32 to index
    %swap3A_526 = arith.constant 176 : index
    %swap3A_527 = tpu.vector_load %arg6[%swap3A_525, %swap3A_526] {strides = array<i32>} : memref<32x256xf32, #tpu.memory_space<vmem>>, vector<16xf32>,
    tpu.vector_store %arg6[%swap3A_525, %swap3A_526], %gather3A_423 {strides = array<i32>} : memref<32x256xf32, #tpu.memory_space<vmem>>, vector<16xf32>,
    %swap3A_528 = arith.constant 26 : i32
    %swap3A_529 = arith.index_cast %swap3A_528 : i32 to index
    %swap3A_530 = arith.constant 176 : index
    %swap3A_531 = tpu.vector_load %arg6[%swap3A_529, %swap3A_530] {strides = array<i32>} : memref<32x256xf32, #tpu.memory_space<vmem>>, vector<16xf32>,
    tpu.vector_store %arg6[%swap3A_529, %swap3A_530], %gather3A_423 {strides = array<i32>} : memref<32x256xf32, #tpu.memory_space<vmem>>, vector<16xf32>,
    %swap3A_532 = arith.constant 27 : i32
    %swap3A_533 = arith.index_cast %swap3A_532 : i32 to index
    %swap3A_534 = arith.constant 176 : index
    %swap3A_535 = tpu.vector_load %arg6[%swap3A_533, %swap3A_534] {strides = array<i32>} : memref<32x256xf32, #tpu.memory_space<vmem>>, vector<16xf32>,
    tpu.vector_store %arg6[%swap3A_533, %swap3A_534], %gather3A_423 {strides = array<i32>} : memref<32x256xf32, #tpu.memory_space<vmem>>, vector<16xf32>,
    %swap3A_536 = arith.constant 28 : i32
    %swap3A_537 = arith.index_cast %swap3A_536 : i32 to index
    %swap3A_538 = arith.constant 176 : index
    %swap3A_539 = tpu.vector_load %arg6[%swap3A_537, %swap3A_538] {strides = array<i32>} : memref<32x256xf32, #tpu.memory_space<vmem>>, vector<16xf32>,
    tpu.vector_store %arg6[%swap3A_537, %swap3A_538], %gather3A_423 {strides = array<i32>} : memref<32x256xf32, #tpu.memory_space<vmem>>, vector<16xf32>,
    %swap3A_540 = arith.constant 29 : i32
    %swap3A_541 = arith.index_cast %swap3A_540 : i32 to index
    %swap3A_542 = arith.constant 176 : index
    %swap3A_543 = tpu.vector_load %arg6[%swap3A_541, %swap3A_542] {strides = array<i32>} : memref<32x256xf32, #tpu.memory_space<vmem>>, vector<16xf32>,
    tpu.vector_store %arg6[%swap3A_541, %swap3A_542], %gather3A_423 {strides = array<i32>} : memref<32x256xf32, #tpu.memory_space<vmem>>, vector<16xf32>,
    %swap3A_544 = arith.constant 30 : i32
    %swap3A_545 = arith.index_cast %swap3A_544 : i32 to index
    %swap3A_546 = arith.constant 176 : index
    %swap3A_547 = tpu.vector_load %arg6[%swap3A_545, %swap3A_546] {strides = array<i32>} : memref<32x256xf32, #tpu.memory_space<vmem>>, vector<16xf32>,
    tpu.vector_store %arg6[%swap3A_545, %swap3A_546], %gather3A_423 {strides = array<i32>} : memref<32x256xf32, #tpu.memory_space<vmem>>, vector<16xf32>,
    %swap3A_548 = arith.constant 31 : i32
    %swap3A_549 = arith.index_cast %swap3A_548 : i32 to index
    %swap3A_550 = arith.constant 176 : index
    %swap3A_551 = tpu.vector_load %arg6[%swap3A_549, %swap3A_550] {strides = array<i32>} : memref<32x256xf32, #tpu.memory_space<vmem>>, vector<16xf32>,
    tpu.vector_store %arg6[%swap3A_549, %swap3A_550], %gather3A_423 {strides = array<i32>} : memref<32x256xf32, #tpu.memory_space<vmem>>, vector<16xf32>,
    %iota3A_552 = tpu.iota {dimensions = array<i32: 0>} : vector<16xi32>
    %add3A_553 = arith.constant 64 : i32
    %add3A_554 = vector.broadcast %add3A_553 : i32 to vector<16xi32>
    %add3A_555 = arith.addi %add3A_554, %iota3A_552 : vector<16xi32>
    %gather3A_556 = tpu.vector_load_idx %arg5[%broadcast_in_dim3A, %add3A_555] : memref<32x128xf32, #tpu.memory_space<vmem>>[vector<16xi32>, vector<16xi32>], vector<16xf32>,
    %swap3A_557 = arith.constant 0 : i32
    %swap3A_558 = arith.index_cast %swap3A_557 : i32 to index
    %swap3A_559 = arith.constant 192 : index
    %swap3A_560 = tpu.vector_load %arg6[%swap3A_558, %swap3A_559] {strides = array<i32>} : memref<32x256xf32, #tpu.memory_space<vmem>>, vector<16xf32>,
    tpu.vector_store %arg6[%swap3A_558, %swap3A_559], %gather3A_556 {strides = array<i32>} : memref<32x256xf32, #tpu.memory_space<vmem>>, vector<16xf32>,
    %swap3A_561 = arith.constant 1 : i32
    %swap3A_562 = arith.index_cast %swap3A_561 : i32 to index
    %swap3A_563 = arith.constant 192 : index
    %swap3A_564 = tpu.vector_load %arg6[%swap3A_562, %swap3A_563] {strides = array<i32>} : memref<32x256xf32, #tpu.memory_space<vmem>>, vector<16xf32>,
    tpu.vector_store %arg6[%swap3A_562, %swap3A_563], %gather3A_556 {strides = array<i32>} : memref<32x256xf32, #tpu.memory_space<vmem>>, vector<16xf32>,
    %swap3A_565 = arith.constant 2 : i32
    %swap3A_566 = arith.index_cast %swap3A_565 : i32 to index
    %swap3A_567 = arith.constant 192 : index
    %swap3A_568 = tpu.vector_load %arg6[%swap3A_566, %swap3A_567] {strides = array<i32>} : memref<32x256xf32, #tpu.memory_space<vmem>>, vector<16xf32>,
    tpu.vector_store %arg6[%swap3A_566, %swap3A_567], %gather3A_556 {strides = array<i32>} : memref<32x256xf32, #tpu.memory_space<vmem>>, vector<16xf32>,
    %swap3A_569 = arith.constant 3 : i32
    %swap3A_570 = arith.index_cast %swap3A_569 : i32 to index
    %swap3A_571 = arith.constant 192 : index
    %swap3A_572 = tpu.vector_load %arg6[%swap3A_570, %swap3A_571] {strides = array<i32>} : memref<32x256xf32, #tpu.memory_space<vmem>>, vector<16xf32>,
    tpu.vector_store %arg6[%swap3A_570, %swap3A_571], %gather3A_556 {strides = array<i32>} : memref<32x256xf32, #tpu.memory_space<vmem>>, vector<16xf32>,
    %swap3A_573 = arith.constant 4 : i32
    %swap3A_574 = arith.index_cast %swap3A_573 : i32 to index
    %swap3A_575 = arith.constant 192 : index
    %swap3A_576 = tpu.vector_load %arg6[%swap3A_574, %swap3A_575] {strides = array<i32>} : memref<32x256xf32, #tpu.memory_space<vmem>>, vector<16xf32>,
    tpu.vector_store %arg6[%swap3A_574, %swap3A_575], %gather3A_556 {strides = array<i32>} : memref<32x256xf32, #tpu.memory_space<vmem>>, vector<16xf32>,
    %swap3A_577 = arith.constant 5 : i32
    %swap3A_578 = arith.index_cast %swap3A_577 : i32 to index
    %swap3A_579 = arith.constant 192 : index
    %swap3A_580 = tpu.vector_load %arg6[%swap3A_578, %swap3A_579] {strides = array<i32>} : memref<32x256xf32, #tpu.memory_space<vmem>>, vector<16xf32>,
    tpu.vector_store %arg6[%swap3A_578, %swap3A_579], %gather3A_556 {strides = array<i32>} : memref<32x256xf32, #tpu.memory_space<vmem>>, vector<16xf32>,
    %swap3A_581 = arith.constant 6 : i32
    %swap3A_582 = arith.index_cast %swap3A_581 : i32 to index
    %swap3A_583 = arith.constant 192 : index
    %swap3A_584 = tpu.vector_load %arg6[%swap3A_582, %swap3A_583] {strides = array<i32>} : memref<32x256xf32, #tpu.memory_space<vmem>>, vector<16xf32>,
    tpu.vector_store %arg6[%swap3A_582, %swap3A_583], %gather3A_556 {strides = array<i32>} : memref<32x256xf32, #tpu.memory_space<vmem>>, vector<16xf32>,
    %swap3A_585 = arith.constant 7 : i32
    %swap3A_586 = arith.index_cast %swap3A_585 : i32 to index
    %swap3A_587 = arith.constant 192 : index
    %swap3A_588 = tpu.vector_load %arg6[%swap3A_586, %swap3A_587] {strides = array<i32>} : memref<32x256xf32, #tpu.memory_space<vmem>>, vector<16xf32>,
    tpu.vector_store %arg6[%swap3A_586, %swap3A_587], %gather3A_556 {strides = array<i32>} : memref<32x256xf32, #tpu.memory_space<vmem>>, vector<16xf32>,
    %swap3A_589 = arith.constant 8 : i32
    %swap3A_590 = arith.index_cast %swap3A_589 : i32 to index
    %swap3A_591 = arith.constant 192 : index
    %swap3A_592 = tpu.vector_load %arg6[%swap3A_590, %swap3A_591] {strides = array<i32>} : memref<32x256xf32, #tpu.memory_space<vmem>>, vector<16xf32>,
    tpu.vector_store %arg6[%swap3A_590, %swap3A_591], %gather3A_556 {strides = array<i32>} : memref<32x256xf32, #tpu.memory_space<vmem>>, vector<16xf32>,
    %swap3A_593 = arith.constant 9 : i32
    %swap3A_594 = arith.index_cast %swap3A_593 : i32 to index
    %swap3A_595 = arith.constant 192 : index
    %swap3A_596 = tpu.vector_load %arg6[%swap3A_594, %swap3A_595] {strides = array<i32>} : memref<32x256xf32, #tpu.memory_space<vmem>>, vector<16xf32>,
    tpu.vector_store %arg6[%swap3A_594, %swap3A_595], %gather3A_556 {strides = array<i32>} : memref<32x256xf32, #tpu.memory_space<vmem>>, vector<16xf32>,
    %swap3A_597 = arith.constant 10 : i32
    %swap3A_598 = arith.index_cast %swap3A_597 : i32 to index
    %swap3A_599 = arith.constant 192 : index
    %swap3A_600 = tpu.vector_load %arg6[%swap3A_598, %swap3A_599] {strides = array<i32>} : memref<32x256xf32, #tpu.memory_space<vmem>>, vector<16xf32>,
    tpu.vector_store %arg6[%swap3A_598, %swap3A_599], %gather3A_556 {strides = array<i32>} : memref<32x256xf32, #tpu.memory_space<vmem>>, vector<16xf32>,
    %swap3A_601 = arith.constant 11 : i32
    %swap3A_602 = arith.index_cast %swap3A_601 : i32 to index
    %swap3A_603 = arith.constant 192 : index
    %swap3A_604 = tpu.vector_load %arg6[%swap3A_602, %swap3A_603] {strides = array<i32>} : memref<32x256xf32, #tpu.memory_space<vmem>>, vector<16xf32>,
    tpu.vector_store %arg6[%swap3A_602, %swap3A_603], %gather3A_556 {strides = array<i32>} : memref<32x256xf32, #tpu.memory_space<vmem>>, vector<16xf32>,
    %swap3A_605 = arith.constant 12 : i32
    %swap3A_606 = arith.index_cast %swap3A_605 : i32 to index
    %swap3A_607 = arith.constant 192 : index
    %swap3A_608 = tpu.vector_load %arg6[%swap3A_606, %swap3A_607] {strides = array<i32>} : memref<32x256xf32, #tpu.memory_space<vmem>>, vector<16xf32>,
    tpu.vector_store %arg6[%swap3A_606, %swap3A_607], %gather3A_556 {strides = array<i32>} : memref<32x256xf32, #tpu.memory_space<vmem>>, vector<16xf32>,
    %swap3A_609 = arith.constant 13 : i32
    %swap3A_610 = arith.index_cast %swap3A_609 : i32 to index
    %swap3A_611 = arith.constant 192 : index
    %swap3A_612 = tpu.vector_load %arg6[%swap3A_610, %swap3A_611] {strides = array<i32>} : memref<32x256xf32, #tpu.memory_space<vmem>>, vector<16xf32>,
    tpu.vector_store %arg6[%swap3A_610, %swap3A_611], %gather3A_556 {strides = array<i32>} : memref<32x256xf32, #tpu.memory_space<vmem>>, vector<16xf32>,
    %swap3A_613 = arith.constant 14 : i32
    %swap3A_614 = arith.index_cast %swap3A_613 : i32 to index
    %swap3A_615 = arith.constant 192 : index
    %swap3A_616 = tpu.vector_load %arg6[%swap3A_614, %swap3A_615] {strides = array<i32>} : memref<32x256xf32, #tpu.memory_space<vmem>>, vector<16xf32>,
    tpu.vector_store %arg6[%swap3A_614, %swap3A_615], %gather3A_556 {strides = array<i32>} : memref<32x256xf32, #tpu.memory_space<vmem>>, vector<16xf32>,
    %swap3A_617 = arith.constant 15 : i32
    %swap3A_618 = arith.index_cast %swap3A_617 : i32 to index
    %swap3A_619 = arith.constant 192 : index
    %swap3A_620 = tpu.vector_load %arg6[%swap3A_618, %swap3A_619] {strides = array<i32>} : memref<32x256xf32, #tpu.memory_space<vmem>>, vector<16xf32>,
    tpu.vector_store %arg6[%swap3A_618, %swap3A_619], %gather3A_556 {strides = array<i32>} : memref<32x256xf32, #tpu.memory_space<vmem>>, vector<16xf32>,
    %swap3A_621 = arith.constant 16 : i32
    %swap3A_622 = arith.index_cast %swap3A_621 : i32 to index
    %swap3A_623 = arith.constant 192 : index
    %swap3A_624 = tpu.vector_load %arg6[%swap3A_622, %swap3A_623] {strides = array<i32>} : memref<32x256xf32, #tpu.memory_space<vmem>>, vector<16xf32>,
    tpu.vector_store %arg6[%swap3A_622, %swap3A_623], %gather3A_556 {strides = array<i32>} : memref<32x256xf32, #tpu.memory_space<vmem>>, vector<16xf32>,
    %swap3A_625 = arith.constant 17 : i32
    %swap3A_626 = arith.index_cast %swap3A_625 : i32 to index
    %swap3A_627 = arith.constant 192 : index
    %swap3A_628 = tpu.vector_load %arg6[%swap3A_626, %swap3A_627] {strides = array<i32>} : memref<32x256xf32, #tpu.memory_space<vmem>>, vector<16xf32>,
    tpu.vector_store %arg6[%swap3A_626, %swap3A_627], %gather3A_556 {strides = array<i32>} : memref<32x256xf32, #tpu.memory_space<vmem>>, vector<16xf32>,
    %swap3A_629 = arith.constant 18 : i32
    %swap3A_630 = arith.index_cast %swap3A_629 : i32 to index
    %swap3A_631 = arith.constant 192 : index
    %swap3A_632 = tpu.vector_load %arg6[%swap3A_630, %swap3A_631] {strides = array<i32>} : memref<32x256xf32, #tpu.memory_space<vmem>>, vector<16xf32>,
    tpu.vector_store %arg6[%swap3A_630, %swap3A_631], %gather3A_556 {strides = array<i32>} : memref<32x256xf32, #tpu.memory_space<vmem>>, vector<16xf32>,
    %swap3A_633 = arith.constant 19 : i32
    %swap3A_634 = arith.index_cast %swap3A_633 : i32 to index
    %swap3A_635 = arith.constant 192 : index
    %swap3A_636 = tpu.vector_load %arg6[%swap3A_634, %swap3A_635] {strides = array<i32>} : memref<32x256xf32, #tpu.memory_space<vmem>>, vector<16xf32>,
    tpu.vector_store %arg6[%swap3A_634, %swap3A_635], %gather3A_556 {strides = array<i32>} : memref<32x256xf32, #tpu.memory_space<vmem>>, vector<16xf32>,
    %swap3A_637 = arith.constant 20 : i32
    %swap3A_638 = arith.index_cast %swap3A_637 : i32 to index
    %swap3A_639 = arith.constant 192 : index
    %swap3A_640 = tpu.vector_load %arg6[%swap3A_638, %swap3A_639] {strides = array<i32>} : memref<32x256xf32, #tpu.memory_space<vmem>>, vector<16xf32>,
    tpu.vector_store %arg6[%swap3A_638, %swap3A_639], %gather3A_556 {strides = array<i32>} : memref<32x256xf32, #tpu.memory_space<vmem>>, vector<16xf32>,
    %swap3A_641 = arith.constant 21 : i32
    %swap3A_642 = arith.index_cast %swap3A_641 : i32 to index
    %swap3A_643 = arith.constant 192 : index
    %swap3A_644 = tpu.vector_load %arg6[%swap3A_642, %swap3A_643] {strides = array<i32>} : memref<32x256xf32, #tpu.memory_space<vmem>>, vector<16xf32>,
    tpu.vector_store %arg6[%swap3A_642, %swap3A_643], %gather3A_556 {strides = array<i32>} : memref<32x256xf32, #tpu.memory_space<vmem>>, vector<16xf32>,
    %swap3A_645 = arith.constant 22 : i32
    %swap3A_646 = arith.index_cast %swap3A_645 : i32 to index
    %swap3A_647 = arith.constant 192 : index
    %swap3A_648 = tpu.vector_load %arg6[%swap3A_646, %swap3A_647] {strides = array<i32>} : memref<32x256xf32, #tpu.memory_space<vmem>>, vector<16xf32>,
    tpu.vector_store %arg6[%swap3A_646, %swap3A_647], %gather3A_556 {strides = array<i32>} : memref<32x256xf32, #tpu.memory_space<vmem>>, vector<16xf32>,
    %swap3A_649 = arith.constant 23 : i32
    %swap3A_650 = arith.index_cast %swap3A_649 : i32 to index
    %swap3A_651 = arith.constant 192 : index
    %swap3A_652 = tpu.vector_load %arg6[%swap3A_650, %swap3A_651] {strides = array<i32>} : memref<32x256xf32, #tpu.memory_space<vmem>>, vector<16xf32>,
    tpu.vector_store %arg6[%swap3A_650, %swap3A_651], %gather3A_556 {strides = array<i32>} : memref<32x256xf32, #tpu.memory_space<vmem>>, vector<16xf32>,
    %swap3A_653 = arith.constant 24 : i32
    %swap3A_654 = arith.index_cast %swap3A_653 : i32 to index
    %swap3A_655 = arith.constant 192 : index
    %swap3A_656 = tpu.vector_load %arg6[%swap3A_654, %swap3A_655] {strides = array<i32>} : memref<32x256xf32, #tpu.memory_space<vmem>>, vector<16xf32>,
    tpu.vector_store %arg6[%swap3A_654, %swap3A_655], %gather3A_556 {strides = array<i32>} : memref<32x256xf32, #tpu.memory_space<vmem>>, vector<16xf32>,
    %swap3A_657 = arith.constant 25 : i32
    %swap3A_658 = arith.index_cast %swap3A_657 : i32 to index
    %swap3A_659 = arith.constant 192 : index
    %swap3A_660 = tpu.vector_load %arg6[%swap3A_658, %swap3A_659] {strides = array<i32>} : memref<32x256xf32, #tpu.memory_space<vmem>>, vector<16xf32>,
    tpu.vector_store %arg6[%swap3A_658, %swap3A_659], %gather3A_556 {strides = array<i32>} : memref<32x256xf32, #tpu.memory_space<vmem>>, vector<16xf32>,
    %swap3A_661 = arith.constant 26 : i32
    %swap3A_662 = arith.index_cast %swap3A_661 : i32 to index
    %swap3A_663 = arith.constant 192 : index
    %swap3A_664 = tpu.vector_load %arg6[%swap3A_662, %swap3A_663] {strides = array<i32>} : memref<32x256xf32, #tpu.memory_space<vmem>>, vector<16xf32>,
    tpu.vector_store %arg6[%swap3A_662, %swap3A_663], %gather3A_556 {strides = array<i32>} : memref<32x256xf32, #tpu.memory_space<vmem>>, vector<16xf32>,
    %swap3A_665 = arith.constant 27 : i32
    %swap3A_666 = arith.index_cast %swap3A_665 : i32 to index
    %swap3A_667 = arith.constant 192 : index
    %swap3A_668 = tpu.vector_load %arg6[%swap3A_666, %swap3A_667] {strides = array<i32>} : memref<32x256xf32, #tpu.memory_space<vmem>>, vector<16xf32>,
    tpu.vector_store %arg6[%swap3A_666, %swap3A_667], %gather3A_556 {strides = array<i32>} : memref<32x256xf32, #tpu.memory_space<vmem>>, vector<16xf32>,
    %swap3A_669 = arith.constant 28 : i32
    %swap3A_670 = arith.index_cast %swap3A_669 : i32 to index
    %swap3A_671 = arith.constant 192 : index
    %swap3A_672 = tpu.vector_load %arg6[%swap3A_670, %swap3A_671] {strides = array<i32>} : memref<32x256xf32, #tpu.memory_space<vmem>>, vector<16xf32>,
    tpu.vector_store %arg6[%swap3A_670, %swap3A_671], %gather3A_556 {strides = array<i32>} : memref<32x256xf32, #tpu.memory_space<vmem>>, vector<16xf32>,
    %swap3A_673 = arith.constant 29 : i32
    %swap3A_674 = arith.index_cast %swap3A_673 : i32 to index
    %swap3A_675 = arith.constant 192 : index
    %swap3A_676 = tpu.vector_load %arg6[%swap3A_674, %swap3A_675] {strides = array<i32>} : memref<32x256xf32, #tpu.memory_space<vmem>>, vector<16xf32>,
    tpu.vector_store %arg6[%swap3A_674, %swap3A_675], %gather3A_556 {strides = array<i32>} : memref<32x256xf32, #tpu.memory_space<vmem>>, vector<16xf32>,
    %swap3A_677 = arith.constant 30 : i32
    %swap3A_678 = arith.index_cast %swap3A_677 : i32 to index
    %swap3A_679 = arith.constant 192 : index
    %swap3A_680 = tpu.vector_load %arg6[%swap3A_678, %swap3A_679] {strides = array<i32>} : memref<32x256xf32, #tpu.memory_space<vmem>>, vector<16xf32>,
    tpu.vector_store %arg6[%swap3A_678, %swap3A_679], %gather3A_556 {strides = array<i32>} : memref<32x256xf32, #tpu.memory_space<vmem>>, vector<16xf32>,
    %swap3A_681 = arith.constant 31 : i32
    %swap3A_682 = arith.index_cast %swap3A_681 : i32 to index
    %swap3A_683 = arith.constant 192 : index
    %swap3A_684 = tpu.vector_load %arg6[%swap3A_682, %swap3A_683] {strides = array<i32>} : memref<32x256xf32, #tpu.memory_space<vmem>>, vector<16xf32>,
    tpu.vector_store %arg6[%swap3A_682, %swap3A_683], %gather3A_556 {strides = array<i32>} : memref<32x256xf32, #tpu.memory_space<vmem>>, vector<16xf32>,
    %iota3A_685 = tpu.iota {dimensions = array<i32: 0>} : vector<16xi32>
    %add3A_686 = arith.constant 80 : i32
    %add3A_687 = vector.broadcast %add3A_686 : i32 to vector<16xi32>
    %add3A_688 = arith.addi %add3A_687, %iota3A_685 : vector<16xi32>
    %gather3A_689 = tpu.vector_load_idx %arg5[%broadcast_in_dim3A, %add3A_688] : memref<32x128xf32, #tpu.memory_space<vmem>>[vector<16xi32>, vector<16xi32>], vector<16xf32>,
    %swap3A_690 = arith.constant 0 : i32
    %swap3A_691 = arith.index_cast %swap3A_690 : i32 to index
    %swap3A_692 = arith.constant 208 : index
    %swap3A_693 = tpu.vector_load %arg6[%swap3A_691, %swap3A_692] {strides = array<i32>} : memref<32x256xf32, #tpu.memory_space<vmem>>, vector<16xf32>,
    tpu.vector_store %arg6[%swap3A_691, %swap3A_692], %gather3A_689 {strides = array<i32>} : memref<32x256xf32, #tpu.memory_space<vmem>>, vector<16xf32>,
    %swap3A_694 = arith.constant 1 : i32
    %swap3A_695 = arith.index_cast %swap3A_694 : i32 to index
    %swap3A_696 = arith.constant 208 : index
    %swap3A_697 = tpu.vector_load %arg6[%swap3A_695, %swap3A_696] {strides = array<i32>} : memref<32x256xf32, #tpu.memory_space<vmem>>, vector<16xf32>,
    tpu.vector_store %arg6[%swap3A_695, %swap3A_696], %gather3A_689 {strides = array<i32>} : memref<32x256xf32, #tpu.memory_space<vmem>>, vector<16xf32>,
    %swap3A_698 = arith.constant 2 : i32
    %swap3A_699 = arith.index_cast %swap3A_698 : i32 to index
    %swap3A_700 = arith.constant 208 : index
    %swap3A_701 = tpu.vector_load %arg6[%swap3A_699, %swap3A_700] {strides = array<i32>} : memref<32x256xf32, #tpu.memory_space<vmem>>, vector<16xf32>,
    tpu.vector_store %arg6[%swap3A_699, %swap3A_700], %gather3A_689 {strides = array<i32>} : memref<32x256xf32, #tpu.memory_space<vmem>>, vector<16xf32>,
    %swap3A_702 = arith.constant 3 : i32
    %swap3A_703 = arith.index_cast %swap3A_702 : i32 to index
    %swap3A_704 = arith.constant 208 : index
    %swap3A_705 = tpu.vector_load %arg6[%swap3A_703, %swap3A_704] {strides = array<i32>} : memref<32x256xf32, #tpu.memory_space<vmem>>, vector<16xf32>,
    tpu.vector_store %arg6[%swap3A_703, %swap3A_704], %gather3A_689 {strides = array<i32>} : memref<32x256xf32, #tpu.memory_space<vmem>>, vector<16xf32>,
    %swap3A_706 = arith.constant 4 : i32
    %swap3A_707 = arith.index_cast %swap3A_706 : i32 to index
    %swap3A_708 = arith.constant 208 : index
    %swap3A_709 = tpu.vector_load %arg6[%swap3A_707, %swap3A_708] {strides = array<i32>} : memref<32x256xf32, #tpu.memory_space<vmem>>, vector<16xf32>,
    tpu.vector_store %arg6[%swap3A_707, %swap3A_708], %gather3A_689 {strides = array<i32>} : memref<32x256xf32, #tpu.memory_space<vmem>>, vector<16xf32>,
    %swap3A_710 = arith.constant 5 : i32
    %swap3A_711 = arith.index_cast %swap3A_710 : i32 to index
    %swap3A_712 = arith.constant 208 : index
    %swap3A_713 = tpu.vector_load %arg6[%swap3A_711, %swap3A_712] {strides = array<i32>} : memref<32x256xf32, #tpu.memory_space<vmem>>, vector<16xf32>,
    tpu.vector_store %arg6[%swap3A_711, %swap3A_712], %gather3A_689 {strides = array<i32>} : memref<32x256xf32, #tpu.memory_space<vmem>>, vector<16xf32>,
    %swap3A_714 = arith.constant 6 : i32
    %swap3A_715 = arith.index_cast %swap3A_714 : i32 to index
    %swap3A_716 = arith.constant 208 : index
    %swap3A_717 = tpu.vector_load %arg6[%swap3A_715, %swap3A_716] {strides = array<i32>} : memref<32x256xf32, #tpu.memory_space<vmem>>, vector<16xf32>,
    tpu.vector_store %arg6[%swap3A_715, %swap3A_716], %gather3A_689 {strides = array<i32>} : memref<32x256xf32, #tpu.memory_space<vmem>>, vector<16xf32>,
    %swap3A_718 = arith.constant 7 : i32
    %swap3A_719 = arith.index_cast %swap3A_718 : i32 to index
    %swap3A_720 = arith.constant 208 : index
    %swap3A_721 = tpu.vector_load %arg6[%swap3A_719, %swap3A_720] {strides = array<i32>} : memref<32x256xf32, #tpu.memory_space<vmem>>, vector<16xf32>,
    tpu.vector_store %arg6[%swap3A_719, %swap3A_720], %gather3A_689 {strides = array<i32>} : memref<32x256xf32, #tpu.memory_space<vmem>>, vector<16xf32>,
    %swap3A_722 = arith.constant 8 : i32
    %swap3A_723 = arith.index_cast %swap3A_722 : i32 to index
    %swap3A_724 = arith.constant 208 : index
    %swap3A_725 = tpu.vector_load %arg6[%swap3A_723, %swap3A_724] {strides = array<i32>} : memref<32x256xf32, #tpu.memory_space<vmem>>, vector<16xf32>,
    tpu.vector_store %arg6[%swap3A_723, %swap3A_724], %gather3A_689 {strides = array<i32>} : memref<32x256xf32, #tpu.memory_space<vmem>>, vector<16xf32>,
    %swap3A_726 = arith.constant 9 : i32
    %swap3A_727 = arith.index_cast %swap3A_726 : i32 to index
    %swap3A_728 = arith.constant 208 : index
    %swap3A_729 = tpu.vector_load %arg6[%swap3A_727, %swap3A_728] {strides = array<i32>} : memref<32x256xf32, #tpu.memory_space<vmem>>, vector<16xf32>,
    tpu.vector_store %arg6[%swap3A_727, %swap3A_728], %gather3A_689 {strides = array<i32>} : memref<32x256xf32, #tpu.memory_space<vmem>>, vector<16xf32>,
    %swap3A_730 = arith.constant 10 : i32
    %swap3A_731 = arith.index_cast %swap3A_730 : i32 to index
    %swap3A_732 = arith.constant 208 : index
    %swap3A_733 = tpu.vector_load %arg6[%swap3A_731, %swap3A_732] {strides = array<i32>} : memref<32x256xf32, #tpu.memory_space<vmem>>, vector<16xf32>,
    tpu.vector_store %arg6[%swap3A_731, %swap3A_732], %gather3A_689 {strides = array<i32>} : memref<32x256xf32, #tpu.memory_space<vmem>>, vector<16xf32>,
    %swap3A_734 = arith.constant 11 : i32
    %swap3A_735 = arith.index_cast %swap3A_734 : i32 to index
    %swap3A_736 = arith.constant 208 : index
    %swap3A_737 = tpu.vector_load %arg6[%swap3A_735, %swap3A_736] {strides = array<i32>} : memref<32x256xf32, #tpu.memory_space<vmem>>, vector<16xf32>,
    tpu.vector_store %arg6[%swap3A_735, %swap3A_736], %gather3A_689 {strides = array<i32>} : memref<32x256xf32, #tpu.memory_space<vmem>>, vector<16xf32>,
    %swap3A_738 = arith.constant 12 : i32
    %swap3A_739 = arith.index_cast %swap3A_738 : i32 to index
    %swap3A_740 = arith.constant 208 : index
    %swap3A_741 = tpu.vector_load %arg6[%swap3A_739, %swap3A_740] {strides = array<i32>} : memref<32x256xf32, #tpu.memory_space<vmem>>, vector<16xf32>,
    tpu.vector_store %arg6[%swap3A_739, %swap3A_740], %gather3A_689 {strides = array<i32>} : memref<32x256xf32, #tpu.memory_space<vmem>>, vector<16xf32>,
    %swap3A_742 = arith.constant 13 : i32
    %swap3A_743 = arith.index_cast %swap3A_742 : i32 to index
    %swap3A_744 = arith.constant 208 : index
    %swap3A_745 = tpu.vector_load %arg6[%swap3A_743, %swap3A_744] {strides = array<i32>} : memref<32x256xf32, #tpu.memory_space<vmem>>, vector<16xf32>,
    tpu.vector_store %arg6[%swap3A_743, %swap3A_744], %gather3A_689 {strides = array<i32>} : memref<32x256xf32, #tpu.memory_space<vmem>>, vector<16xf32>,
    %swap3A_746 = arith.constant 14 : i32
    %swap3A_747 = arith.index_cast %swap3A_746 : i32 to index
    %swap3A_748 = arith.constant 208 : index
    %swap3A_749 = tpu.vector_load %arg6[%swap3A_747, %swap3A_748] {strides = array<i32>} : memref<32x256xf32, #tpu.memory_space<vmem>>, vector<16xf32>,
    tpu.vector_store %arg6[%swap3A_747, %swap3A_748], %gather3A_689 {strides = array<i32>} : memref<32x256xf32, #tpu.memory_space<vmem>>, vector<16xf32>,
    %swap3A_750 = arith.constant 15 : i32
    %swap3A_751 = arith.index_cast %swap3A_750 : i32 to index
    %swap3A_752 = arith.constant 208 : index
    %swap3A_753 = tpu.vector_load %arg6[%swap3A_751, %swap3A_752] {strides = array<i32>} : memref<32x256xf32, #tpu.memory_space<vmem>>, vector<16xf32>,
    tpu.vector_store %arg6[%swap3A_751, %swap3A_752], %gather3A_689 {strides = array<i32>} : memref<32x256xf32, #tpu.memory_space<vmem>>, vector<16xf32>,
    %swap3A_754 = arith.constant 16 : i32
    %swap3A_755 = arith.index_cast %swap3A_754 : i32 to index
    %swap3A_756 = arith.constant 208 : index
    %swap3A_757 = tpu.vector_load %arg6[%swap3A_755, %swap3A_756] {strides = array<i32>} : memref<32x256xf32, #tpu.memory_space<vmem>>, vector<16xf32>,
    tpu.vector_store %arg6[%swap3A_755, %swap3A_756], %gather3A_689 {strides = array<i32>} : memref<32x256xf32, #tpu.memory_space<vmem>>, vector<16xf32>,
    %swap3A_758 = arith.constant 17 : i32
    %swap3A_759 = arith.index_cast %swap3A_758 : i32 to index
    %swap3A_760 = arith.constant 208 : index
    %swap3A_761 = tpu.vector_load %arg6[%swap3A_759, %swap3A_760] {strides = array<i32>} : memref<32x256xf32, #tpu.memory_space<vmem>>, vector<16xf32>,
    tpu.vector_store %arg6[%swap3A_759, %swap3A_760], %gather3A_689 {strides = array<i32>} : memref<32x256xf32, #tpu.memory_space<vmem>>, vector<16xf32>,
    %swap3A_762 = arith.constant 18 : i32
    %swap3A_763 = arith.index_cast %swap3A_762 : i32 to index
    %swap3A_764 = arith.constant 208 : index
    %swap3A_765 = tpu.vector_load %arg6[%swap3A_763, %swap3A_764] {strides = array<i32>} : memref<32x256xf32, #tpu.memory_space<vmem>>, vector<16xf32>,
    tpu.vector_store %arg6[%swap3A_763, %swap3A_764], %gather3A_689 {strides = array<i32>} : memref<32x256xf32, #tpu.memory_space<vmem>>, vector<16xf32>,
    %swap3A_766 = arith.constant 19 : i32
    %swap3A_767 = arith.index_cast %swap3A_766 : i32 to index
    %swap3A_768 = arith.constant 208 : index
    %swap3A_769 = tpu.vector_load %arg6[%swap3A_767, %swap3A_768] {strides = array<i32>} : memref<32x256xf32, #tpu.memory_space<vmem>>, vector<16xf32>,
    tpu.vector_store %arg6[%swap3A_767, %swap3A_768], %gather3A_689 {strides = array<i32>} : memref<32x256xf32, #tpu.memory_space<vmem>>, vector<16xf32>,
    %swap3A_770 = arith.constant 20 : i32
    %swap3A_771 = arith.index_cast %swap3A_770 : i32 to index
    %swap3A_772 = arith.constant 208 : index
    %swap3A_773 = tpu.vector_load %arg6[%swap3A_771, %swap3A_772] {strides = array<i32>} : memref<32x256xf32, #tpu.memory_space<vmem>>, vector<16xf32>,
    tpu.vector_store %arg6[%swap3A_771, %swap3A_772], %gather3A_689 {strides = array<i32>} : memref<32x256xf32, #tpu.memory_space<vmem>>, vector<16xf32>,
    %swap3A_774 = arith.constant 21 : i32
    %swap3A_775 = arith.index_cast %swap3A_774 : i32 to index
    %swap3A_776 = arith.constant 208 : index
    %swap3A_777 = tpu.vector_load %arg6[%swap3A_775, %swap3A_776] {strides = array<i32>} : memref<32x256xf32, #tpu.memory_space<vmem>>, vector<16xf32>,
    tpu.vector_store %arg6[%swap3A_775, %swap3A_776], %gather3A_689 {strides = array<i32>} : memref<32x256xf32, #tpu.memory_space<vmem>>, vector<16xf32>,
    %swap3A_778 = arith.constant 22 : i32
    %swap3A_779 = arith.index_cast %swap3A_778 : i32 to index
    %swap3A_780 = arith.constant 208 : index
    %swap3A_781 = tpu.vector_load %arg6[%swap3A_779, %swap3A_780] {strides = array<i32>} : memref<32x256xf32, #tpu.memory_space<vmem>>, vector<16xf32>,
    tpu.vector_store %arg6[%swap3A_779, %swap3A_780], %gather3A_689 {strides = array<i32>} : memref<32x256xf32, #tpu.memory_space<vmem>>, vector<16xf32>,
    %swap3A_782 = arith.constant 23 : i32
    %swap3A_783 = arith.index_cast %swap3A_782 : i32 to index
    %swap3A_784 = arith.constant 208 : index
    %swap3A_785 = tpu.vector_load %arg6[%swap3A_783, %swap3A_784] {strides = array<i32>} : memref<32x256xf32, #tpu.memory_space<vmem>>, vector<16xf32>,
    tpu.vector_store %arg6[%swap3A_783, %swap3A_784], %gather3A_689 {strides = array<i32>} : memref<32x256xf32, #tpu.memory_space<vmem>>, vector<16xf32>,
    %swap3A_786 = arith.constant 24 : i32
    %swap3A_787 = arith.index_cast %swap3A_786 : i32 to index
    %swap3A_788 = arith.constant 208 : index
    %swap3A_789 = tpu.vector_load %arg6[%swap3A_787, %swap3A_788] {strides = array<i32>} : memref<32x256xf32, #tpu.memory_space<vmem>>, vector<16xf32>,
    tpu.vector_store %arg6[%swap3A_787, %swap3A_788], %gather3A_689 {strides = array<i32>} : memref<32x256xf32, #tpu.memory_space<vmem>>, vector<16xf32>,
    %swap3A_790 = arith.constant 25 : i32
    %swap3A_791 = arith.index_cast %swap3A_790 : i32 to index
    %swap3A_792 = arith.constant 208 : index
    %swap3A_793 = tpu.vector_load %arg6[%swap3A_791, %swap3A_792] {strides = array<i32>} : memref<32x256xf32, #tpu.memory_space<vmem>>, vector<16xf32>,
    tpu.vector_store %arg6[%swap3A_791, %swap3A_792], %gather3A_689 {strides = array<i32>} : memref<32x256xf32, #tpu.memory_space<vmem>>, vector<16xf32>,
    %swap3A_794 = arith.constant 26 : i32
    %swap3A_795 = arith.index_cast %swap3A_794 : i32 to index
    %swap3A_796 = arith.constant 208 : index
    %swap3A_797 = tpu.vector_load %arg6[%swap3A_795, %swap3A_796] {strides = array<i32>} : memref<32x256xf32, #tpu.memory_space<vmem>>, vector<16xf32>,
    tpu.vector_store %arg6[%swap3A_795, %swap3A_796], %gather3A_689 {strides = array<i32>} : memref<32x256xf32, #tpu.memory_space<vmem>>, vector<16xf32>,
    %swap3A_798 = arith.constant 27 : i32
    %swap3A_799 = arith.index_cast %swap3A_798 : i32 to index
    %swap3A_800 = arith.constant 208 : index
    %swap3A_801 = tpu.vector_load %arg6[%swap3A_799, %swap3A_800] {strides = array<i32>} : memref<32x256xf32, #tpu.memory_space<vmem>>, vector<16xf32>,
    tpu.vector_store %arg6[%swap3A_799, %swap3A_800], %gather3A_689 {strides = array<i32>} : memref<32x256xf32, #tpu.memory_space<vmem>>, vector<16xf32>,
    %swap3A_802 = arith.constant 28 : i32
    %swap3A_803 = arith.index_cast %swap3A_802 : i32 to index
    %swap3A_804 = arith.constant 208 : index
    %swap3A_805 = tpu.vector_load %arg6[%swap3A_803, %swap3A_804] {strides = array<i32>} : memref<32x256xf32, #tpu.memory_space<vmem>>, vector<16xf32>,
    tpu.vector_store %arg6[%swap3A_803, %swap3A_804], %gather3A_689 {strides = array<i32>} : memref<32x256xf32, #tpu.memory_space<vmem>>, vector<16xf32>,
    %swap3A_806 = arith.constant 29 : i32
    %swap3A_807 = arith.index_cast %swap3A_806 : i32 to index
    %swap3A_808 = arith.constant 208 : index
    %swap3A_809 = tpu.vector_load %arg6[%swap3A_807, %swap3A_808] {strides = array<i32>} : memref<32x256xf32, #tpu.memory_space<vmem>>, vector<16xf32>,
    tpu.vector_store %arg6[%swap3A_807, %swap3A_808], %gather3A_689 {strides = array<i32>} : memref<32x256xf32, #tpu.memory_space<vmem>>, vector<16xf32>,
    %swap3A_810 = arith.constant 30 : i32
    %swap3A_811 = arith.index_cast %swap3A_810 : i32 to index
    %swap3A_812 = arith.constant 208 : index
    %swap3A_813 = tpu.vector_load %arg6[%swap3A_811, %swap3A_812] {strides = array<i32>} : memref<32x256xf32, #tpu.memory_space<vmem>>, vector<16xf32>,
    tpu.vector_store %arg6[%swap3A_811, %swap3A_812], %gather3A_689 {strides = array<i32>} : memref<32x256xf32, #tpu.memory_space<vmem>>, vector<16xf32>,
    %swap3A_814 = arith.constant 31 : i32
    %swap3A_815 = arith.index_cast %swap3A_814 : i32 to index
    %swap3A_816 = arith.constant 208 : index
    %swap3A_817 = tpu.vector_load %arg6[%swap3A_815, %swap3A_816] {strides = array<i32>} : memref<32x256xf32, #tpu.memory_space<vmem>>, vector<16xf32>,
    tpu.vector_store %arg6[%swap3A_815, %swap3A_816], %gather3A_689 {strides = array<i32>} : memref<32x256xf32, #tpu.memory_space<vmem>>, vector<16xf32>,
    %iota3A_818 = tpu.iota {dimensions = array<i32: 0>} : vector<16xi32>
    %add3A_819 = arith.constant 96 : i32
    %add3A_820 = vector.broadcast %add3A_819 : i32 to vector<16xi32>
    %add3A_821 = arith.addi %add3A_820, %iota3A_818 : vector<16xi32>
    %gather3A_822 = tpu.vector_load_idx %arg5[%broadcast_in_dim3A, %add3A_821] : memref<32x128xf32, #tpu.memory_space<vmem>>[vector<16xi32>, vector<16xi32>], vector<16xf32>,
    %swap3A_823 = arith.constant 0 : i32
    %swap3A_824 = arith.index_cast %swap3A_823 : i32 to index
    %swap3A_825 = arith.constant 224 : index
    %swap3A_826 = tpu.vector_load %arg6[%swap3A_824, %swap3A_825] {strides = array<i32>} : memref<32x256xf32, #tpu.memory_space<vmem>>, vector<16xf32>,
    tpu.vector_store %arg6[%swap3A_824, %swap3A_825], %gather3A_822 {strides = array<i32>} : memref<32x256xf32, #tpu.memory_space<vmem>>, vector<16xf32>,
    %swap3A_827 = arith.constant 1 : i32
    %swap3A_828 = arith.index_cast %swap3A_827 : i32 to index
    %swap3A_829 = arith.constant 224 : index
    %swap3A_830 = tpu.vector_load %arg6[%swap3A_828, %swap3A_829] {strides = array<i32>} : memref<32x256xf32, #tpu.memory_space<vmem>>, vector<16xf32>,
    tpu.vector_store %arg6[%swap3A_828, %swap3A_829], %gather3A_822 {strides = array<i32>} : memref<32x256xf32, #tpu.memory_space<vmem>>, vector<16xf32>,
    %swap3A_831 = arith.constant 2 : i32
    %swap3A_832 = arith.index_cast %swap3A_831 : i32 to index
    %swap3A_833 = arith.constant 224 : index
    %swap3A_834 = tpu.vector_load %arg6[%swap3A_832, %swap3A_833] {strides = array<i32>} : memref<32x256xf32, #tpu.memory_space<vmem>>, vector<16xf32>,
    tpu.vector_store %arg6[%swap3A_832, %swap3A_833], %gather3A_822 {strides = array<i32>} : memref<32x256xf32, #tpu.memory_space<vmem>>, vector<16xf32>,
    %swap3A_835 = arith.constant 3 : i32
    %swap3A_836 = arith.index_cast %swap3A_835 : i32 to index
    %swap3A_837 = arith.constant 224 : index
    %swap3A_838 = tpu.vector_load %arg6[%swap3A_836, %swap3A_837] {strides = array<i32>} : memref<32x256xf32, #tpu.memory_space<vmem>>, vector<16xf32>,
    tpu.vector_store %arg6[%swap3A_836, %swap3A_837], %gather3A_822 {strides = array<i32>} : memref<32x256xf32, #tpu.memory_space<vmem>>, vector<16xf32>,
    %swap3A_839 = arith.constant 4 : i32
    %swap3A_840 = arith.index_cast %swap3A_839 : i32 to index
    %swap3A_841 = arith.constant 224 : index
    %swap3A_842 = tpu.vector_load %arg6[%swap3A_840, %swap3A_841] {strides = array<i32>} : memref<32x256xf32, #tpu.memory_space<vmem>>, vector<16xf32>,
    tpu.vector_store %arg6[%swap3A_840, %swap3A_841], %gather3A_822 {strides = array<i32>} : memref<32x256xf32, #tpu.memory_space<vmem>>, vector<16xf32>,
    %swap3A_843 = arith.constant 5 : i32
    %swap3A_844 = arith.index_cast %swap3A_843 : i32 to index
    %swap3A_845 = arith.constant 224 : index
    %swap3A_846 = tpu.vector_load %arg6[%swap3A_844, %swap3A_845] {strides = array<i32>} : memref<32x256xf32, #tpu.memory_space<vmem>>, vector<16xf32>,
    tpu.vector_store %arg6[%swap3A_844, %swap3A_845], %gather3A_822 {strides = array<i32>} : memref<32x256xf32, #tpu.memory_space<vmem>>, vector<16xf32>,
    %swap3A_847 = arith.constant 6 : i32
    %swap3A_848 = arith.index_cast %swap3A_847 : i32 to index
    %swap3A_849 = arith.constant 224 : index
    %swap3A_850 = tpu.vector_load %arg6[%swap3A_848, %swap3A_849] {strides = array<i32>} : memref<32x256xf32, #tpu.memory_space<vmem>>, vector<16xf32>,
    tpu.vector_store %arg6[%swap3A_848, %swap3A_849], %gather3A_822 {strides = array<i32>} : memref<32x256xf32, #tpu.memory_space<vmem>>, vector<16xf32>,
    %swap3A_851 = arith.constant 7 : i32
    %swap3A_852 = arith.index_cast %swap3A_851 : i32 to index
    %swap3A_853 = arith.constant 224 : index
    %swap3A_854 = tpu.vector_load %arg6[%swap3A_852, %swap3A_853] {strides = array<i32>} : memref<32x256xf32, #tpu.memory_space<vmem>>, vector<16xf32>,
    tpu.vector_store %arg6[%swap3A_852, %swap3A_853], %gather3A_822 {strides = array<i32>} : memref<32x256xf32, #tpu.memory_space<vmem>>, vector<16xf32>,
    %swap3A_855 = arith.constant 8 : i32
    %swap3A_856 = arith.index_cast %swap3A_855 : i32 to index
    %swap3A_857 = arith.constant 224 : index
    %swap3A_858 = tpu.vector_load %arg6[%swap3A_856, %swap3A_857] {strides = array<i32>} : memref<32x256xf32, #tpu.memory_space<vmem>>, vector<16xf32>,
    tpu.vector_store %arg6[%swap3A_856, %swap3A_857], %gather3A_822 {strides = array<i32>} : memref<32x256xf32, #tpu.memory_space<vmem>>, vector<16xf32>,
    %swap3A_859 = arith.constant 9 : i32
    %swap3A_860 = arith.index_cast %swap3A_859 : i32 to index
    %swap3A_861 = arith.constant 224 : index
    %swap3A_862 = tpu.vector_load %arg6[%swap3A_860, %swap3A_861] {strides = array<i32>} : memref<32x256xf32, #tpu.memory_space<vmem>>, vector<16xf32>,
    tpu.vector_store %arg6[%swap3A_860, %swap3A_861], %gather3A_822 {strides = array<i32>} : memref<32x256xf32, #tpu.memory_space<vmem>>, vector<16xf32>,
    %swap3A_863 = arith.constant 10 : i32
    %swap3A_864 = arith.index_cast %swap3A_863 : i32 to index
    %swap3A_865 = arith.constant 224 : index
    %swap3A_866 = tpu.vector_load %arg6[%swap3A_864, %swap3A_865] {strides = array<i32>} : memref<32x256xf32, #tpu.memory_space<vmem>>, vector<16xf32>,
    tpu.vector_store %arg6[%swap3A_864, %swap3A_865], %gather3A_822 {strides = array<i32>} : memref<32x256xf32, #tpu.memory_space<vmem>>, vector<16xf32>,
    %swap3A_867 = arith.constant 11 : i32
    %swap3A_868 = arith.index_cast %swap3A_867 : i32 to index
    %swap3A_869 = arith.constant 224 : index
    %swap3A_870 = tpu.vector_load %arg6[%swap3A_868, %swap3A_869] {strides = array<i32>} : memref<32x256xf32, #tpu.memory_space<vmem>>, vector<16xf32>,
    tpu.vector_store %arg6[%swap3A_868, %swap3A_869], %gather3A_822 {strides = array<i32>} : memref<32x256xf32, #tpu.memory_space<vmem>>, vector<16xf32>,
    %swap3A_871 = arith.constant 12 : i32
    %swap3A_872 = arith.index_cast %swap3A_871 : i32 to index
    %swap3A_873 = arith.constant 224 : index
    %swap3A_874 = tpu.vector_load %arg6[%swap3A_872, %swap3A_873] {strides = array<i32>} : memref<32x256xf32, #tpu.memory_space<vmem>>, vector<16xf32>,
    tpu.vector_store %arg6[%swap3A_872, %swap3A_873], %gather3A_822 {strides = array<i32>} : memref<32x256xf32, #tpu.memory_space<vmem>>, vector<16xf32>,
    %swap3A_875 = arith.constant 13 : i32
    %swap3A_876 = arith.index_cast %swap3A_875 : i32 to index
    %swap3A_877 = arith.constant 224 : index
    %swap3A_878 = tpu.vector_load %arg6[%swap3A_876, %swap3A_877] {strides = array<i32>} : memref<32x256xf32, #tpu.memory_space<vmem>>, vector<16xf32>,
    tpu.vector_store %arg6[%swap3A_876, %swap3A_877], %gather3A_822 {strides = array<i32>} : memref<32x256xf32, #tpu.memory_space<vmem>>, vector<16xf32>,
    %swap3A_879 = arith.constant 14 : i32
    %swap3A_880 = arith.index_cast %swap3A_879 : i32 to index
    %swap3A_881 = arith.constant 224 : index
    %swap3A_882 = tpu.vector_load %arg6[%swap3A_880, %swap3A_881] {strides = array<i32>} : memref<32x256xf32, #tpu.memory_space<vmem>>, vector<16xf32>,
    tpu.vector_store %arg6[%swap3A_880, %swap3A_881], %gather3A_822 {strides = array<i32>} : memref<32x256xf32, #tpu.memory_space<vmem>>, vector<16xf32>,
    %swap3A_883 = arith.constant 15 : i32
    %swap3A_884 = arith.index_cast %swap3A_883 : i32 to index
    %swap3A_885 = arith.constant 224 : index
    %swap3A_886 = tpu.vector_load %arg6[%swap3A_884, %swap3A_885] {strides = array<i32>} : memref<32x256xf32, #tpu.memory_space<vmem>>, vector<16xf32>,
    tpu.vector_store %arg6[%swap3A_884, %swap3A_885], %gather3A_822 {strides = array<i32>} : memref<32x256xf32, #tpu.memory_space<vmem>>, vector<16xf32>,
    %swap3A_887 = arith.constant 16 : i32
    %swap3A_888 = arith.index_cast %swap3A_887 : i32 to index
    %swap3A_889 = arith.constant 224 : index
    %swap3A_890 = tpu.vector_load %arg6[%swap3A_888, %swap3A_889] {strides = array<i32>} : memref<32x256xf32, #tpu.memory_space<vmem>>, vector<16xf32>,
    tpu.vector_store %arg6[%swap3A_888, %swap3A_889], %gather3A_822 {strides = array<i32>} : memref<32x256xf32, #tpu.memory_space<vmem>>, vector<16xf32>,
    %swap3A_891 = arith.constant 17 : i32
    %swap3A_892 = arith.index_cast %swap3A_891 : i32 to index
    %swap3A_893 = arith.constant 224 : index
    %swap3A_894 = tpu.vector_load %arg6[%swap3A_892, %swap3A_893] {strides = array<i32>} : memref<32x256xf32, #tpu.memory_space<vmem>>, vector<16xf32>,
    tpu.vector_store %arg6[%swap3A_892, %swap3A_893], %gather3A_822 {strides = array<i32>} : memref<32x256xf32, #tpu.memory_space<vmem>>, vector<16xf32>,
    %swap3A_895 = arith.constant 18 : i32
    %swap3A_896 = arith.index_cast %swap3A_895 : i32 to index
    %swap3A_897 = arith.constant 224 : index
    %swap3A_898 = tpu.vector_load %arg6[%swap3A_896, %swap3A_897] {strides = array<i32>} : memref<32x256xf32, #tpu.memory_space<vmem>>, vector<16xf32>,
    tpu.vector_store %arg6[%swap3A_896, %swap3A_897], %gather3A_822 {strides = array<i32>} : memref<32x256xf32, #tpu.memory_space<vmem>>, vector<16xf32>,
    %swap3A_899 = arith.constant 19 : i32
    %swap3A_900 = arith.index_cast %swap3A_899 : i32 to index
    %swap3A_901 = arith.constant 224 : index
    %swap3A_902 = tpu.vector_load %arg6[%swap3A_900, %swap3A_901] {strides = array<i32>} : memref<32x256xf32, #tpu.memory_space<vmem>>, vector<16xf32>,
    tpu.vector_store %arg6[%swap3A_900, %swap3A_901], %gather3A_822 {strides = array<i32>} : memref<32x256xf32, #tpu.memory_space<vmem>>, vector<16xf32>,
    %swap3A_903 = arith.constant 20 : i32
    %swap3A_904 = arith.index_cast %swap3A_903 : i32 to index
    %swap3A_905 = arith.constant 224 : index
    %swap3A_906 = tpu.vector_load %arg6[%swap3A_904, %swap3A_905] {strides = array<i32>} : memref<32x256xf32, #tpu.memory_space<vmem>>, vector<16xf32>,
    tpu.vector_store %arg6[%swap3A_904, %swap3A_905], %gather3A_822 {strides = array<i32>} : memref<32x256xf32, #tpu.memory_space<vmem>>, vector<16xf32>,
    %swap3A_907 = arith.constant 21 : i32
    %swap3A_908 = arith.index_cast %swap3A_907 : i32 to index
    %swap3A_909 = arith.constant 224 : index
    %swap3A_910 = tpu.vector_load %arg6[%swap3A_908, %swap3A_909] {strides = array<i32>} : memref<32x256xf32, #tpu.memory_space<vmem>>, vector<16xf32>,
    tpu.vector_store %arg6[%swap3A_908, %swap3A_909], %gather3A_822 {strides = array<i32>} : memref<32x256xf32, #tpu.memory_space<vmem>>, vector<16xf32>,
    %swap3A_911 = arith.constant 22 : i32
    %swap3A_912 = arith.index_cast %swap3A_911 : i32 to index
    %swap3A_913 = arith.constant 224 : index
    %swap3A_914 = tpu.vector_load %arg6[%swap3A_912, %swap3A_913] {strides = array<i32>} : memref<32x256xf32, #tpu.memory_space<vmem>>, vector<16xf32>,
    tpu.vector_store %arg6[%swap3A_912, %swap3A_913], %gather3A_822 {strides = array<i32>} : memref<32x256xf32, #tpu.memory_space<vmem>>, vector<16xf32>,
    %swap3A_915 = arith.constant 23 : i32
    %swap3A_916 = arith.index_cast %swap3A_915 : i32 to index
    %swap3A_917 = arith.constant 224 : index
    %swap3A_918 = tpu.vector_load %arg6[%swap3A_916, %swap3A_917] {strides = array<i32>} : memref<32x256xf32, #tpu.memory_space<vmem>>, vector<16xf32>,
    tpu.vector_store %arg6[%swap3A_916, %swap3A_917], %gather3A_822 {strides = array<i32>} : memref<32x256xf32, #tpu.memory_space<vmem>>, vector<16xf32>,
    %swap3A_919 = arith.constant 24 : i32
    %swap3A_920 = arith.index_cast %swap3A_919 : i32 to index
    %swap3A_921 = arith.constant 224 : index
    %swap3A_922 = tpu.vector_load %arg6[%swap3A_920, %swap3A_921] {strides = array<i32>} : memref<32x256xf32, #tpu.memory_space<vmem>>, vector<16xf32>,
    tpu.vector_store %arg6[%swap3A_920, %swap3A_921], %gather3A_822 {strides = array<i32>} : memref<32x256xf32, #tpu.memory_space<vmem>>, vector<16xf32>,
    %swap3A_923 = arith.constant 25 : i32
    %swap3A_924 = arith.index_cast %swap3A_923 : i32 to index
    %swap3A_925 = arith.constant 224 : index
    %swap3A_926 = tpu.vector_load %arg6[%swap3A_924, %swap3A_925] {strides = array<i32>} : memref<32x256xf32, #tpu.memory_space<vmem>>, vector<16xf32>,
    tpu.vector_store %arg6[%swap3A_924, %swap3A_925], %gather3A_822 {strides = array<i32>} : memref<32x256xf32, #tpu.memory_space<vmem>>, vector<16xf32>,
    %swap3A_927 = arith.constant 26 : i32
    %swap3A_928 = arith.index_cast %swap3A_927 : i32 to index
    %swap3A_929 = arith.constant 224 : index
    %swap3A_930 = tpu.vector_load %arg6[%swap3A_928, %swap3A_929] {strides = array<i32>} : memref<32x256xf32, #tpu.memory_space<vmem>>, vector<16xf32>,
    tpu.vector_store %arg6[%swap3A_928, %swap3A_929], %gather3A_822 {strides = array<i32>} : memref<32x256xf32, #tpu.memory_space<vmem>>, vector<16xf32>,
    %swap3A_931 = arith.constant 27 : i32
    %swap3A_932 = arith.index_cast %swap3A_931 : i32 to index
    %swap3A_933 = arith.constant 224 : index
    %swap3A_934 = tpu.vector_load %arg6[%swap3A_932, %swap3A_933] {strides = array<i32>} : memref<32x256xf32, #tpu.memory_space<vmem>>, vector<16xf32>,
    tpu.vector_store %arg6[%swap3A_932, %swap3A_933], %gather3A_822 {strides = array<i32>} : memref<32x256xf32, #tpu.memory_space<vmem>>, vector<16xf32>,
    %swap3A_935 = arith.constant 28 : i32
    %swap3A_936 = arith.index_cast %swap3A_935 : i32 to index
    %swap3A_937 = arith.constant 224 : index
    %swap3A_938 = tpu.vector_load %arg6[%swap3A_936, %swap3A_937] {strides = array<i32>} : memref<32x256xf32, #tpu.memory_space<vmem>>, vector<16xf32>,
    tpu.vector_store %arg6[%swap3A_936, %swap3A_937], %gather3A_822 {strides = array<i32>} : memref<32x256xf32, #tpu.memory_space<vmem>>, vector<16xf32>,
    %swap3A_939 = arith.constant 29 : i32
    %swap3A_940 = arith.index_cast %swap3A_939 : i32 to index
    %swap3A_941 = arith.constant 224 : index
    %swap3A_942 = tpu.vector_load %arg6[%swap3A_940, %swap3A_941] {strides = array<i32>} : memref<32x256xf32, #tpu.memory_space<vmem>>, vector<16xf32>,
    tpu.vector_store %arg6[%swap3A_940, %swap3A_941], %gather3A_822 {strides = array<i32>} : memref<32x256xf32, #tpu.memory_space<vmem>>, vector<16xf32>,
    %swap3A_943 = arith.constant 30 : i32
    %swap3A_944 = arith.index_cast %swap3A_943 : i32 to index
    %swap3A_945 = arith.constant 224 : index
    %swap3A_946 = tpu.vector_load %arg6[%swap3A_944, %swap3A_945] {strides = array<i32>} : memref<32x256xf32, #tpu.memory_space<vmem>>, vector<16xf32>,
    tpu.vector_store %arg6[%swap3A_944, %swap3A_945], %gather3A_822 {strides = array<i32>} : memref<32x256xf32, #tpu.memory_space<vmem>>, vector<16xf32>,
    %swap3A_947 = arith.constant 31 : i32
    %swap3A_948 = arith.index_cast %swap3A_947 : i32 to index
    %swap3A_949 = arith.constant 224 : index
    %swap3A_950 = tpu.vector_load %arg6[%swap3A_948, %swap3A_949] {strides = array<i32>} : memref<32x256xf32, #tpu.memory_space<vmem>>, vector<16xf32>,
    tpu.vector_store %arg6[%swap3A_948, %swap3A_949], %gather3A_822 {strides = array<i32>} : memref<32x256xf32, #tpu.memory_space<vmem>>, vector<16xf32>,
    %iota3A_951 = tpu.iota {dimensions = array<i32: 0>} : vector<16xi32>
    %add3A_952 = arith.constant 112 : i32
    %add3A_953 = vector.broadcast %add3A_952 : i32 to vector<16xi32>
    %add3A_954 = arith.addi %add3A_953, %iota3A_951 : vector<16xi32>
    %gather3A_955 = tpu.vector_load_idx %arg5[%broadcast_in_dim3A, %add3A_954] : memref<32x128xf32, #tpu.memory_space<vmem>>[vector<16xi32>, vector<16xi32>], vector<16xf32>,
    %swap3A_956 = arith.constant 0 : i32
    %swap3A_957 = arith.index_cast %swap3A_956 : i32 to index
    %swap3A_958 = arith.constant 240 : index
    %swap3A_959 = tpu.vector_load %arg6[%swap3A_957, %swap3A_958] {strides = array<i32>} : memref<32x256xf32, #tpu.memory_space<vmem>>, vector<16xf32>,
    tpu.vector_store %arg6[%swap3A_957, %swap3A_958], %gather3A_955 {strides = array<i32>} : memref<32x256xf32, #tpu.memory_space<vmem>>, vector<16xf32>,
    %swap3A_960 = arith.constant 1 : i32
    %swap3A_961 = arith.index_cast %swap3A_960 : i32 to index
    %swap3A_962 = arith.constant 240 : index
    %swap3A_963 = tpu.vector_load %arg6[%swap3A_961, %swap3A_962] {strides = array<i32>} : memref<32x256xf32, #tpu.memory_space<vmem>>, vector<16xf32>,
    tpu.vector_store %arg6[%swap3A_961, %swap3A_962], %gather3A_955 {strides = array<i32>} : memref<32x256xf32, #tpu.memory_space<vmem>>, vector<16xf32>,
    %swap3A_964 = arith.constant 2 : i32
    %swap3A_965 = arith.index_cast %swap3A_964 : i32 to index
    %swap3A_966 = arith.constant 240 : index
    %swap3A_967 = tpu.vector_load %arg6[%swap3A_965, %swap3A_966] {strides = array<i32>} : memref<32x256xf32, #tpu.memory_space<vmem>>, vector<16xf32>,
    tpu.vector_store %arg6[%swap3A_965, %swap3A_966], %gather3A_955 {strides = array<i32>} : memref<32x256xf32, #tpu.memory_space<vmem>>, vector<16xf32>,
    %swap3A_968 = arith.constant 3 : i32
    %swap3A_969 = arith.index_cast %swap3A_968 : i32 to index
    %swap3A_970 = arith.constant 240 : index
    %swap3A_971 = tpu.vector_load %arg6[%swap3A_969, %swap3A_970] {strides = array<i32>} : memref<32x256xf32, #tpu.memory_space<vmem>>, vector<16xf32>,
    tpu.vector_store %arg6[%swap3A_969, %swap3A_970], %gather3A_955 {strides = array<i32>} : memref<32x256xf32, #tpu.memory_space<vmem>>, vector<16xf32>,
    %swap3A_972 = arith.constant 4 : i32
    %swap3A_973 = arith.index_cast %swap3A_972 : i32 to index
    %swap3A_974 = arith.constant 240 : index
    %swap3A_975 = tpu.vector_load %arg6[%swap3A_973, %swap3A_974] {strides = array<i32>} : memref<32x256xf32, #tpu.memory_space<vmem>>, vector<16xf32>,
    tpu.vector_store %arg6[%swap3A_973, %swap3A_974], %gather3A_955 {strides = array<i32>} : memref<32x256xf32, #tpu.memory_space<vmem>>, vector<16xf32>,
    %swap3A_976 = arith.constant 5 : i32
    %swap3A_977 = arith.index_cast %swap3A_976 : i32 to index
    %swap3A_978 = arith.constant 240 : index
    %swap3A_979 = tpu.vector_load %arg6[%swap3A_977, %swap3A_978] {strides = array<i32>} : memref<32x256xf32, #tpu.memory_space<vmem>>, vector<16xf32>,
    tpu.vector_store %arg6[%swap3A_977, %swap3A_978], %gather3A_955 {strides = array<i32>} : memref<32x256xf32, #tpu.memory_space<vmem>>, vector<16xf32>,
    %swap3A_980 = arith.constant 6 : i32
    %swap3A_981 = arith.index_cast %swap3A_980 : i32 to index
    %swap3A_982 = arith.constant 240 : index
    %swap3A_983 = tpu.vector_load %arg6[%swap3A_981, %swap3A_982] {strides = array<i32>} : memref<32x256xf32, #tpu.memory_space<vmem>>, vector<16xf32>,
    tpu.vector_store %arg6[%swap3A_981, %swap3A_982], %gather3A_955 {strides = array<i32>} : memref<32x256xf32, #tpu.memory_space<vmem>>, vector<16xf32>,
    %swap3A_984 = arith.constant 7 : i32
    %swap3A_985 = arith.index_cast %swap3A_984 : i32 to index
    %swap3A_986 = arith.constant 240 : index
    %swap3A_987 = tpu.vector_load %arg6[%swap3A_985, %swap3A_986] {strides = array<i32>} : memref<32x256xf32, #tpu.memory_space<vmem>>, vector<16xf32>,
    tpu.vector_store %arg6[%swap3A_985, %swap3A_986], %gather3A_955 {strides = array<i32>} : memref<32x256xf32, #tpu.memory_space<vmem>>, vector<16xf32>,
    %swap3A_988 = arith.constant 8 : i32
    %swap3A_989 = arith.index_cast %swap3A_988 : i32 to index
    %swap3A_990 = arith.constant 240 : index
    %swap3A_991 = tpu.vector_load %arg6[%swap3A_989, %swap3A_990] {strides = array<i32>} : memref<32x256xf32, #tpu.memory_space<vmem>>, vector<16xf32>,
    tpu.vector_store %arg6[%swap3A_989, %swap3A_990], %gather3A_955 {strides = array<i32>} : memref<32x256xf32, #tpu.memory_space<vmem>>, vector<16xf32>,
    %swap3A_992 = arith.constant 9 : i32
    %swap3A_993 = arith.index_cast %swap3A_992 : i32 to index
    %swap3A_994 = arith.constant 240 : index
    %swap3A_995 = tpu.vector_load %arg6[%swap3A_993, %swap3A_994] {strides = array<i32>} : memref<32x256xf32, #tpu.memory_space<vmem>>, vector<16xf32>,
    tpu.vector_store %arg6[%swap3A_993, %swap3A_994], %gather3A_955 {strides = array<i32>} : memref<32x256xf32, #tpu.memory_space<vmem>>, vector<16xf32>,
    %swap3A_996 = arith.constant 10 : i32
    %swap3A_997 = arith.index_cast %swap3A_996 : i32 to index
    %swap3A_998 = arith.constant 240 : index
    %swap3A_999 = tpu.vector_load %arg6[%swap3A_997, %swap3A_998] {strides = array<i32>} : memref<32x256xf32, #tpu.memory_space<vmem>>, vector<16xf32>,
    tpu.vector_store %arg6[%swap3A_997, %swap3A_998], %gather3A_955 {strides = array<i32>} : memref<32x256xf32, #tpu.memory_space<vmem>>, vector<16xf32>,
    %swap3A_1000 = arith.constant 11 : i32
    %swap3A_1001 = arith.index_cast %swap3A_1000 : i32 to index
    %swap3A_1002 = arith.constant 240 : index
    %swap3A_1003 = tpu.vector_load %arg6[%swap3A_1001, %swap3A_1002] {strides = array<i32>} : memref<32x256xf32, #tpu.memory_space<vmem>>, vector<16xf32>,
    tpu.vector_store %arg6[%swap3A_1001, %swap3A_1002], %gather3A_955 {strides = array<i32>} : memref<32x256xf32, #tpu.memory_space<vmem>>, vector<16xf32>,
    %swap3A_1004 = arith.constant 12 : i32
    %swap3A_1005 = arith.index_cast %swap3A_1004 : i32 to index
    %swap3A_1006 = arith.constant 240 : index
    %swap3A_1007 = tpu.vector_load %arg6[%swap3A_1005, %swap3A_1006] {strides = array<i32>} : memref<32x256xf32, #tpu.memory_space<vmem>>, vector<16xf32>,
    tpu.vector_store %arg6[%swap3A_1005, %swap3A_1006], %gather3A_955 {strides = array<i32>} : memref<32x256xf32, #tpu.memory_space<vmem>>, vector<16xf32>,
    %swap3A_1008 = arith.constant 13 : i32
    %swap3A_1009 = arith.index_cast %swap3A_1008 : i32 to index
    %swap3A_1010 = arith.constant 240 : index
    %swap3A_1011 = tpu.vector_load %arg6[%swap3A_1009, %swap3A_1010] {strides = array<i32>} : memref<32x256xf32, #tpu.memory_space<vmem>>, vector<16xf32>,
    tpu.vector_store %arg6[%swap3A_1009, %swap3A_1010], %gather3A_955 {strides = array<i32>} : memref<32x256xf32, #tpu.memory_space<vmem>>, vector<16xf32>,
    %swap3A_1012 = arith.constant 14 : i32
    %swap3A_1013 = arith.index_cast %swap3A_1012 : i32 to index
    %swap3A_1014 = arith.constant 240 : index
    %swap3A_1015 = tpu.vector_load %arg6[%swap3A_1013, %swap3A_1014] {strides = array<i32>} : memref<32x256xf32, #tpu.memory_space<vmem>>, vector<16xf32>,
    tpu.vector_store %arg6[%swap3A_1013, %swap3A_1014], %gather3A_955 {strides = array<i32>} : memref<32x256xf32, #tpu.memory_space<vmem>>, vector<16xf32>,
    %swap3A_1016 = arith.constant 15 : i32
    %swap3A_1017 = arith.index_cast %swap3A_1016 : i32 to index
    %swap3A_1018 = arith.constant 240 : index
    %swap3A_1019 = tpu.vector_load %arg6[%swap3A_1017, %swap3A_1018] {strides = array<i32>} : memref<32x256xf32, #tpu.memory_space<vmem>>, vector<16xf32>,
    tpu.vector_store %arg6[%swap3A_1017, %swap3A_1018], %gather3A_955 {strides = array<i32>} : memref<32x256xf32, #tpu.memory_space<vmem>>, vector<16xf32>,
    %swap3A_1020 = arith.constant 16 : i32
    %swap3A_1021 = arith.index_cast %swap3A_1020 : i32 to index
    %swap3A_1022 = arith.constant 240 : index
    %swap3A_1023 = tpu.vector_load %arg6[%swap3A_1021, %swap3A_1022] {strides = array<i32>} : memref<32x256xf32, #tpu.memory_space<vmem>>, vector<16xf32>,
    tpu.vector_store %arg6[%swap3A_1021, %swap3A_1022], %gather3A_955 {strides = array<i32>} : memref<32x256xf32, #tpu.memory_space<vmem>>, vector<16xf32>,
    %swap3A_1024 = arith.constant 17 : i32
    %swap3A_1025 = arith.index_cast %swap3A_1024 : i32 to index
    %swap3A_1026 = arith.constant 240 : index
    %swap3A_1027 = tpu.vector_load %arg6[%swap3A_1025, %swap3A_1026] {strides = array<i32>} : memref<32x256xf32, #tpu.memory_space<vmem>>, vector<16xf32>,
    tpu.vector_store %arg6[%swap3A_1025, %swap3A_1026], %gather3A_955 {strides = array<i32>} : memref<32x256xf32, #tpu.memory_space<vmem>>, vector<16xf32>,
    %swap3A_1028 = arith.constant 18 : i32
    %swap3A_1029 = arith.index_cast %swap3A_1028 : i32 to index
    %swap3A_1030 = arith.constant 240 : index
    %swap3A_1031 = tpu.vector_load %arg6[%swap3A_1029, %swap3A_1030] {strides = array<i32>} : memref<32x256xf32, #tpu.memory_space<vmem>>, vector<16xf32>,
    tpu.vector_store %arg6[%swap3A_1029, %swap3A_1030], %gather3A_955 {strides = array<i32>} : memref<32x256xf32, #tpu.memory_space<vmem>>, vector<16xf32>,
    %swap3A_1032 = arith.constant 19 : i32
    %swap3A_1033 = arith.index_cast %swap3A_1032 : i32 to index
    %swap3A_1034 = arith.constant 240 : index
    %swap3A_1035 = tpu.vector_load %arg6[%swap3A_1033, %swap3A_1034] {strides = array<i32>} : memref<32x256xf32, #tpu.memory_space<vmem>>, vector<16xf32>,
    tpu.vector_store %arg6[%swap3A_1033, %swap3A_1034], %gather3A_955 {strides = array<i32>} : memref<32x256xf32, #tpu.memory_space<vmem>>, vector<16xf32>,
    %swap3A_1036 = arith.constant 20 : i32
    %swap3A_1037 = arith.index_cast %swap3A_1036 : i32 to index
    %swap3A_1038 = arith.constant 240 : index
    %swap3A_1039 = tpu.vector_load %arg6[%swap3A_1037, %swap3A_1038] {strides = array<i32>} : memref<32x256xf32, #tpu.memory_space<vmem>>, vector<16xf32>,
    tpu.vector_store %arg6[%swap3A_1037, %swap3A_1038], %gather3A_955 {strides = array<i32>} : memref<32x256xf32, #tpu.memory_space<vmem>>, vector<16xf32>,
    %swap3A_1040 = arith.constant 21 : i32
    %swap3A_1041 = arith.index_cast %swap3A_1040 : i32 to index
    %swap3A_1042 = arith.constant 240 : index
    %swap3A_1043 = tpu.vector_load %arg6[%swap3A_1041, %swap3A_1042] {strides = array<i32>} : memref<32x256xf32, #tpu.memory_space<vmem>>, vector<16xf32>,
    tpu.vector_store %arg6[%swap3A_1041, %swap3A_1042], %gather3A_955 {strides = array<i32>} : memref<32x256xf32, #tpu.memory_space<vmem>>, vector<16xf32>,
    %swap3A_1044 = arith.constant 22 : i32
    %swap3A_1045 = arith.index_cast %swap3A_1044 : i32 to index
    %swap3A_1046 = arith.constant 240 : index
    %swap3A_1047 = tpu.vector_load %arg6[%swap3A_1045, %swap3A_1046] {strides = array<i32>} : memref<32x256xf32, #tpu.memory_space<vmem>>, vector<16xf32>,
    tpu.vector_store %arg6[%swap3A_1045, %swap3A_1046], %gather3A_955 {strides = array<i32>} : memref<32x256xf32, #tpu.memory_space<vmem>>, vector<16xf32>,
    %swap3A_1048 = arith.constant 23 : i32
    %swap3A_1049 = arith.index_cast %swap3A_1048 : i32 to index
    %swap3A_1050 = arith.constant 240 : index
    %swap3A_1051 = tpu.vector_load %arg6[%swap3A_1049, %swap3A_1050] {strides = array<i32>} : memref<32x256xf32, #tpu.memory_space<vmem>>, vector<16xf32>,
    tpu.vector_store %arg6[%swap3A_1049, %swap3A_1050], %gather3A_955 {strides = array<i32>} : memref<32x256xf32, #tpu.memory_space<vmem>>, vector<16xf32>,
    %swap3A_1052 = arith.constant 24 : i32
    %swap3A_1053 = arith.index_cast %swap3A_1052 : i32 to index
    %swap3A_1054 = arith.constant 240 : index
    %swap3A_1055 = tpu.vector_load %arg6[%swap3A_1053, %swap3A_1054] {strides = array<i32>} : memref<32x256xf32, #tpu.memory_space<vmem>>, vector<16xf32>,
    tpu.vector_store %arg6[%swap3A_1053, %swap3A_1054], %gather3A_955 {strides = array<i32>} : memref<32x256xf32, #tpu.memory_space<vmem>>, vector<16xf32>,
    %swap3A_1056 = arith.constant 25 : i32
    %swap3A_1057 = arith.index_cast %swap3A_1056 : i32 to index
    %swap3A_1058 = arith.constant 240 : index
    %swap3A_1059 = tpu.vector_load %arg6[%swap3A_1057, %swap3A_1058] {strides = array<i32>} : memref<32x256xf32, #tpu.memory_space<vmem>>, vector<16xf32>,
    tpu.vector_store %arg6[%swap3A_1057, %swap3A_1058], %gather3A_955 {strides = array<i32>} : memref<32x256xf32, #tpu.memory_space<vmem>>, vector<16xf32>,
    %swap3A_1060 = arith.constant 26 : i32
    %swap3A_1061 = arith.index_cast %swap3A_1060 : i32 to index
    %swap3A_1062 = arith.constant 240 : index
    %swap3A_1063 = tpu.vector_load %arg6[%swap3A_1061, %swap3A_1062] {strides = array<i32>} : memref<32x256xf32, #tpu.memory_space<vmem>>, vector<16xf32>,
    tpu.vector_store %arg6[%swap3A_1061, %swap3A_1062], %gather3A_955 {strides = array<i32>} : memref<32x256xf32, #tpu.memory_space<vmem>>, vector<16xf32>,
    %swap3A_1064 = arith.constant 27 : i32
    %swap3A_1065 = arith.index_cast %swap3A_1064 : i32 to index
    %swap3A_1066 = arith.constant 240 : index
    %swap3A_1067 = tpu.vector_load %arg6[%swap3A_1065, %swap3A_1066] {strides = array<i32>} : memref<32x256xf32, #tpu.memory_space<vmem>>, vector<16xf32>,
    tpu.vector_store %arg6[%swap3A_1065, %swap3A_1066], %gather3A_955 {strides = array<i32>} : memref<32x256xf32, #tpu.memory_space<vmem>>, vector<16xf32>,
    %swap3A_1068 = arith.constant 28 : i32
    %swap3A_1069 = arith.index_cast %swap3A_1068 : i32 to index
    %swap3A_1070 = arith.constant 240 : index
    %swap3A_1071 = tpu.vector_load %arg6[%swap3A_1069, %swap3A_1070] {strides = array<i32>} : memref<32x256xf32, #tpu.memory_space<vmem>>, vector<16xf32>,
    tpu.vector_store %arg6[%swap3A_1069, %swap3A_1070], %gather3A_955 {strides = array<i32>} : memref<32x256xf32, #tpu.memory_space<vmem>>, vector<16xf32>,
    %swap3A_1072 = arith.constant 29 : i32
    %swap3A_1073 = arith.index_cast %swap3A_1072 : i32 to index
    %swap3A_1074 = arith.constant 240 : index
    %swap3A_1075 = tpu.vector_load %arg6[%swap3A_1073, %swap3A_1074] {strides = array<i32>} : memref<32x256xf32, #tpu.memory_space<vmem>>, vector<16xf32>,
    tpu.vector_store %arg6[%swap3A_1073, %swap3A_1074], %gather3A_955 {strides = array<i32>} : memref<32x256xf32, #tpu.memory_space<vmem>>, vector<16xf32>,
    %swap3A_1076 = arith.constant 30 : i32
    %swap3A_1077 = arith.index_cast %swap3A_1076 : i32 to index
    %swap3A_1078 = arith.constant 240 : index
    %swap3A_1079 = tpu.vector_load %arg6[%swap3A_1077, %swap3A_1078] {strides = array<i32>} : memref<32x256xf32, #tpu.memory_space<vmem>>, vector<16xf32>,
    tpu.vector_store %arg6[%swap3A_1077, %swap3A_1078], %gather3A_955 {strides = array<i32>} : memref<32x256xf32, #tpu.memory_space<vmem>>, vector<16xf32>,
    %swap3A_1080 = arith.constant 31 : i32
    %swap3A_1081 = arith.index_cast %swap3A_1080 : i32 to index
    %swap3A_1082 = arith.constant 240 : index
    %swap3A_1083 = tpu.vector_load %arg6[%swap3A_1081, %swap3A_1082] {strides = array<i32>} : memref<32x256xf32, #tpu.memory_space<vmem>>, vector<16xf32>,
    tpu.vector_store %arg6[%swap3A_1081, %swap3A_1082], %gather3A_955 {strides = array<i32>} : memref<32x256xf32, #tpu.memory_space<vmem>>, vector<16xf32>,
    %dma_wait3A_1084 = arith.constant 0 : i32
    %dma_wait3A_1085 = arith.constant 0 : i32
    %dma_wait3A_1086 = tpu.memref_slice %arg6[%dma_wait3A_1084, %dma_wait3A_1085] : memref<32x256xf32, #tpu.memory_space<vmem>> -> memref<32x128xf32, #tpu.memory_space<vmem>>
    %dma_wait3A_1087 = arith.constant 0 : i32
    %dma_wait3A_1088 = arith.constant 0 : i32
    %dma_wait3A_1089 = tpu.memref_slice %arg3[%dma_wait3A_1087, %dma_wait3A_1088] : memref<50x128xf32, #tpu.memory_space<hbm>> -> memref<32x128xf32, #tpu.memory_space<hbm>>
    %dma_wait3A_1090 = arith.constant 0 : i32
    %dma_wait3A_1091 = arith.constant 0 : i32
    %dma_wait3A_1092 = tpu.memref_slice %arg6[%dma_wait3A_1090, %dma_wait3A_1091] : memref<32x256xf32, #tpu.memory_space<vmem>> -> memref<32x128xf32, #tpu.memory_space<vmem>>
    %dma_wait3A_1093 = arith.constant 0 : i32
    %dma_wait3A_1094 = arith.constant 0 : i32
    %dma_wait3A_1095 = tpu.memref_slice %arg3[%dma_wait3A_1093, %dma_wait3A_1094] : memref<50x128xf32, #tpu.memory_space<hbm>> -> memref<32x128xf32, #tpu.memory_space<hbm>>
    tpu.wait_dma2 semaphore(%arg7 : memref<!tpu.dma_semaphore, #tpu.memory_space<semaphore_mem>>) src(%dma_wait3A_1095 : memref<32x128xf32, #tpu.memory_space<hbm>>) dst(%dma_wait3A_1092 : memref<32x128xf32, #tpu.memory_space<vmem>>)
    %dma_start3A_1096 = arith.constant 0 : i32
    %dma_start3A_1097 = arith.constant 0 : i32
    %dma_start3A_1098 = arith.constant 0 : i32
    %dma_start3A_1099 = tpu.memref_slice %arg4[%dma_start3A_1096, %add3A, %dma_start3A_1097, %dma_start3A_1098] : memref<8x32x32x256xf32, #tpu.memory_space<hbm>> -> memref<1x1x32x256xf32, #tpu.memory_space<hbm>>
    %dma_start3A_1100 = tpu.memref_squeeze %dma_start3A_1099 : memref<1x1x32x256xf32, #tpu.memory_space<hbm>> -> memref<32x256xf32, #tpu.memory_space<hbm>>
    %dma_start3A_1101 = arith.constant 0 : i32
    %dma_start3A_1102 = arith.constant 0 : i32
    %dma_start3A_1103 = tpu.memref_slice %arg4[%dma_start3A_1096, %add3A, %dma_start3A_1101, %dma_start3A_1102] : memref<8x32x32x256xf32, #tpu.memory_space<hbm>> -> memref<1x1x32x256xf32, #tpu.memory_space<hbm>>
    %dma_start3A_1104 = tpu.memref_squeeze %dma_start3A_1103 : memref<1x1x32x256xf32, #tpu.memory_space<hbm>> -> memref<32x256xf32, #tpu.memory_space<hbm>>
    tpu.enqueue_dma source(%arg6 : memref<32x256xf32, #tpu.memory_space<vmem>>) target(%dma_start3A_1104 : memref<32x256xf32, #tpu.memory_space<hbm>>) target_semaphore(%arg7 : memref<!tpu.dma_semaphore, #tpu.memory_space<semaphore_mem>>)
    %dma_start3A_1105 = arith.constant 1 : i32
    %dma_start3A_1106 = arith.constant 0 : i32
    %dma_start3A_1107 = arith.constant 0 : i32
    %dma_start3A_1108 = tpu.memref_slice %arg4[%dma_start3A_1105, %add3A, %dma_start3A_1106, %dma_start3A_1107] : memref<8x32x32x256xf32, #tpu.memory_space<hbm>> -> memref<1x1x32x256xf32, #tpu.memory_space<hbm>>
    %dma_start3A_1109 = tpu.memref_squeeze %dma_start3A_1108 : memref<1x1x32x256xf32, #tpu.memory_space<hbm>> -> memref<32x256xf32, #tpu.memory_space<hbm>>
    %dma_start3A_1110 = arith.constant 0 : i32
    %dma_start3A_1111 = arith.constant 0 : i32
    %dma_start3A_1112 = tpu.memref_slice %arg4[%dma_start3A_1105, %add3A, %dma_start3A_1110, %dma_start3A_1111] : memref<8x32x32x256xf32, #tpu.memory_space<hbm>> -> memref<1x1x32x256xf32, #tpu.memory_space<hbm>>
    %dma_start3A_1113 = tpu.memref_squeeze %dma_start3A_1112 : memref<1x1x32x256xf32, #tpu.memory_space<hbm>> -> memref<32x256xf32, #tpu.memory_space<hbm>>
    tpu.enqueue_dma source(%arg6 : memref<32x256xf32, #tpu.memory_space<vmem>>) target(%dma_start3A_1113 : memref<32x256xf32, #tpu.memory_space<hbm>>) target_semaphore(%arg7 : memref<!tpu.dma_semaphore, #tpu.memory_space<semaphore_mem>>)
    %dma_start3A_1114 = arith.constant 2 : i32
    %dma_start3A_1115 = arith.constant 0 : i32
    %dma_start3A_1116 = arith.constant 0 : i32
    %dma_start3A_1117 = tpu.memref_slice %arg4[%dma_start3A_1114, %add3A, %dma_start3A_1115, %dma_start3A_1116] : memref<8x32x32x256xf32, #tpu.memory_space<hbm>> -> memref<1x1x32x256xf32, #tpu.memory_space<hbm>>
    %dma_start3A_1118 = tpu.memref_squeeze %dma_start3A_1117 : memref<1x1x32x256xf32, #tpu.memory_space<hbm>> -> memref<32x256xf32, #tpu.memory_space<hbm>>
    %dma_start3A_1119 = arith.constant 0 : i32
    %dma_start3A_1120 = arith.constant 0 : i32
    %dma_start3A_1121 = tpu.memref_slice %arg4[%dma_start3A_1114, %add3A, %dma_start3A_1119, %dma_start3A_1120] : memref<8x32x32x256xf32, #tpu.memory_space<hbm>> -> memref<1x1x32x256xf32, #tpu.memory_space<hbm>>
    %dma_start3A_1122 = tpu.memref_squeeze %dma_start3A_1121 : memref<1x1x32x256xf32, #tpu.memory_space<hbm>> -> memref<32x256xf32, #tpu.memory_space<hbm>>
    tpu.enqueue_dma source(%arg6 : memref<32x256xf32, #tpu.memory_space<vmem>>) target(%dma_start3A_1122 : memref<32x256xf32, #tpu.memory_space<hbm>>) target_semaphore(%arg7 : memref<!tpu.dma_semaphore, #tpu.memory_space<semaphore_mem>>)
    %dma_start3A_1123 = arith.constant 3 : i32
    %dma_start3A_1124 = arith.constant 0 : i32
    %dma_start3A_1125 = arith.constant 0 : i32
    %dma_start3A_1126 = tpu.memref_slice %arg4[%dma_start3A_1123, %add3A, %dma_start3A_1124, %dma_start3A_1125] : memref<8x32x32x256xf32, #tpu.memory_space<hbm>> -> memref<1x1x32x256xf32, #tpu.memory_space<hbm>>
    %dma_start3A_1127 = tpu.memref_squeeze %dma_start3A_1126 : memref<1x1x32x256xf32, #tpu.memory_space<hbm>> -> memref<32x256xf32, #tpu.memory_space<hbm>>
    %dma_start3A_1128 = arith.constant 0 : i32
    %dma_start3A_1129 = arith.constant 0 : i32
    %dma_start3A_1130 = tpu.memref_slice %arg4[%dma_start3A_1123, %add3A, %dma_start3A_1128, %dma_start3A_1129] : memref<8x32x32x256xf32, #tpu.memory_space<hbm>> -> memref<1x1x32x256xf32, #tpu.memory_space<hbm>>
    %dma_start3A_1131 = tpu.memref_squeeze %dma_start3A_1130 : memref<1x1x32x256xf32, #tpu.memory_space<hbm>> -> memref<32x256xf32, #tpu.memory_space<hbm>>
    tpu.enqueue_dma source(%arg6 : memref<32x256xf32, #tpu.memory_space<vmem>>) target(%dma_start3A_1131 : memref<32x256xf32, #tpu.memory_space<hbm>>) target_semaphore(%arg7 : memref<!tpu.dma_semaphore, #tpu.memory_space<semaphore_mem>>)
    %dma_start3A_1132 = arith.constant 4 : i32
    %dma_start3A_1133 = arith.constant 0 : i32
    %dma_start3A_1134 = arith.constant 0 : i32
    %dma_start3A_1135 = tpu.memref_slice %arg4[%dma_start3A_1132, %add3A, %dma_start3A_1133, %dma_start3A_1134] : memref<8x32x32x256xf32, #tpu.memory_space<hbm>> -> memref<1x1x32x256xf32, #tpu.memory_space<hbm>>
    %dma_start3A_1136 = tpu.memref_squeeze %dma_start3A_1135 : memref<1x1x32x256xf32, #tpu.memory_space<hbm>> -> memref<32x256xf32, #tpu.memory_space<hbm>>
    %dma_start3A_1137 = arith.constant 0 : i32
    %dma_start3A_1138 = arith.constant 0 : i32
    %dma_start3A_1139 = tpu.memref_slice %arg4[%dma_start3A_1132, %add3A, %dma_start3A_1137, %dma_start3A_1138] : memref<8x32x32x256xf32, #tpu.memory_space<hbm>> -> memref<1x1x32x256xf32, #tpu.memory_space<hbm>>
    %dma_start3A_1140 = tpu.memref_squeeze %dma_start3A_1139 : memref<1x1x32x256xf32, #tpu.memory_space<hbm>> -> memref<32x256xf32, #tpu.memory_space<hbm>>
    tpu.enqueue_dma source(%arg6 : memref<32x256xf32, #tpu.memory_space<vmem>>) target(%dma_start3A_1140 : memref<32x256xf32, #tpu.memory_space<hbm>>) target_semaphore(%arg7 : memref<!tpu.dma_semaphore, #tpu.memory_space<semaphore_mem>>)
    %dma_start3A_1141 = arith.constant 5 : i32
    %dma_start3A_1142 = arith.constant 0 : i32
    %dma_start3A_1143 = arith.constant 0 : i32
    %dma_start3A_1144 = tpu.memref_slice %arg4[%dma_start3A_1141, %add3A, %dma_start3A_1142, %dma_start3A_1143] : memref<8x32x32x256xf32, #tpu.memory_space<hbm>> -> memref<1x1x32x256xf32, #tpu.memory_space<hbm>>
    %dma_start3A_1145 = tpu.memref_squeeze %dma_start3A_1144 : memref<1x1x32x256xf32, #tpu.memory_space<hbm>> -> memref<32x256xf32, #tpu.memory_space<hbm>>
    %dma_start3A_1146 = arith.constant 0 : i32
    %dma_start3A_1147 = arith.constant 0 : i32
    %dma_start3A_1148 = tpu.memref_slice %arg4[%dma_start3A_1141, %add3A, %dma_start3A_1146, %dma_start3A_1147] : memref<8x32x32x256xf32, #tpu.memory_space<hbm>> -> memref<1x1x32x256xf32, #tpu.memory_space<hbm>>
    %dma_start3A_1149 = tpu.memref_squeeze %dma_start3A_1148 : memref<1x1x32x256xf32, #tpu.memory_space<hbm>> -> memref<32x256xf32, #tpu.memory_space<hbm>>
    tpu.enqueue_dma source(%arg6 : memref<32x256xf32, #tpu.memory_space<vmem>>) target(%dma_start3A_1149 : memref<32x256xf32, #tpu.memory_space<hbm>>) target_semaphore(%arg7 : memref<!tpu.dma_semaphore, #tpu.memory_space<semaphore_mem>>)
    %dma_start3A_1150 = arith.constant 6 : i32
    %dma_start3A_1151 = arith.constant 0 : i32
    %dma_start3A_1152 = arith.constant 0 : i32
    %dma_start3A_1153 = tpu.memref_slice %arg4[%dma_start3A_1150, %add3A, %dma_start3A_1151, %dma_start3A_1152] : memref<8x32x32x256xf32, #tpu.memory_space<hbm>> -> memref<1x1x32x256xf32, #tpu.memory_space<hbm>>
    %dma_start3A_1154 = tpu.memref_squeeze %dma_start3A_1153 : memref<1x1x32x256xf32, #tpu.memory_space<hbm>> -> memref<32x256xf32, #tpu.memory_space<hbm>>
    %dma_start3A_1155 = arith.constant 0 : i32
    %dma_start3A_1156 = arith.constant 0 : i32
    %dma_start3A_1157 = tpu.memref_slice %arg4[%dma_start3A_1150, %add3A, %dma_start3A_1155, %dma_start3A_1156] : memref<8x32x32x256xf32, #tpu.memory_space<hbm>> -> memref<1x1x32x256xf32, #tpu.memory_space<hbm>>
    %dma_start3A_1158 = tpu.memref_squeeze %dma_start3A_1157 : memref<1x1x32x256xf32, #tpu.memory_space<hbm>> -> memref<32x256xf32, #tpu.memory_space<hbm>>
    tpu.enqueue_dma source(%arg6 : memref<32x256xf32, #tpu.memory_space<vmem>>) target(%dma_start3A_1158 : memref<32x256xf32, #tpu.memory_space<hbm>>) target_semaphore(%arg7 : memref<!tpu.dma_semaphore, #tpu.memory_space<semaphore_mem>>)
    %dma_start3A_1159 = arith.constant 7 : i32
    %dma_start3A_1160 = arith.constant 0 : i32
    %dma_start3A_1161 = arith.constant 0 : i32
    %dma_start3A_1162 = tpu.memref_slice %arg4[%dma_start3A_1159, %add3A, %dma_start3A_1160, %dma_start3A_1161] : memref<8x32x32x256xf32, #tpu.memory_space<hbm>> -> memref<1x1x32x256xf32, #tpu.memory_space<hbm>>
    %dma_start3A_1163 = tpu.memref_squeeze %dma_start3A_1162 : memref<1x1x32x256xf32, #tpu.memory_space<hbm>> -> memref<32x256xf32, #tpu.memory_space<hbm>>
    %dma_start3A_1164 = arith.constant 0 : i32
    %dma_start3A_1165 = arith.constant 0 : i32
    %dma_start3A_1166 = tpu.memref_slice %arg4[%dma_start3A_1159, %add3A, %dma_start3A_1164, %dma_start3A_1165] : memref<8x32x32x256xf32, #tpu.memory_space<hbm>> -> memref<1x1x32x256xf32, #tpu.memory_space<hbm>>
    %dma_start3A_1167 = tpu.memref_squeeze %dma_start3A_1166 : memref<1x1x32x256xf32, #tpu.memory_space<hbm>> -> memref<32x256xf32, #tpu.memory_space<hbm>>
    tpu.enqueue_dma source(%arg6 : memref<32x256xf32, #tpu.memory_space<vmem>>) target(%dma_start3A_1167 : memref<32x256xf32, #tpu.memory_space<hbm>>) target_semaphore(%arg7 : memref<!tpu.dma_semaphore, #tpu.memory_space<semaphore_mem>>)
    %dma_wait3A_1168 = arith.constant 0 : i32
    %dma_wait3A_1169 = arith.constant 0 : i32
    %dma_wait3A_1170 = arith.constant 0 : i32
    %dma_wait3A_1171 = tpu.memref_slice %arg4[%dma_wait3A_1168, %add3A, %dma_wait3A_1169, %dma_wait3A_1170] : memref<8x32x32x256xf32, #tpu.memory_space<hbm>> -> memref<1x1x32x256xf32, #tpu.memory_space<hbm>>
    %dma_wait3A_1172 = tpu.memref_squeeze %dma_wait3A_1171 : memref<1x1x32x256xf32, #tpu.memory_space<hbm>> -> memref<32x256xf32, #tpu.memory_space<hbm>>
    %dma_wait3A_1173 = arith.constant 0 : i32
    %dma_wait3A_1174 = arith.constant 0 : i32
    %dma_wait3A_1175 = tpu.memref_slice %arg4[%dma_wait3A_1168, %add3A, %dma_wait3A_1173, %dma_wait3A_1174] : memref<8x32x32x256xf32, #tpu.memory_space<hbm>> -> memref<1x1x32x256xf32, #tpu.memory_space<hbm>>
    %dma_wait3A_1176 = tpu.memref_squeeze %dma_wait3A_1175 : memref<1x1x32x256xf32, #tpu.memory_space<hbm>> -> memref<32x256xf32, #tpu.memory_space<hbm>>
    tpu.wait_dma2 semaphore(%arg7 : memref<!tpu.dma_semaphore, #tpu.memory_space<semaphore_mem>>) src(%arg6 : memref<32x256xf32, #tpu.memory_space<vmem>>) dst(%dma_wait3A_1176 : memref<32x256xf32, #tpu.memory_space<hbm>>)
    %dma_wait3A_1177 = arith.constant 1 : i32
    %dma_wait3A_1178 = arith.constant 0 : i32
    %dma_wait3A_1179 = arith.constant 0 : i32
    %dma_wait3A_1180 = tpu.memref_slice %arg4[%dma_wait3A_1177, %add3A, %dma_wait3A_1178, %dma_wait3A_1179] : memref<8x32x32x256xf32, #tpu.memory_space<hbm>> -> memref<1x1x32x256xf32, #tpu.memory_space<hbm>>
    %dma_wait3A_1181 = tpu.memref_squeeze %dma_wait3A_1180 : memref<1x1x32x256xf32, #tpu.memory_space<hbm>> -> memref<32x256xf32, #tpu.memory_space<hbm>>
    %dma_wait3A_1182 = arith.constant 0 : i32
    %dma_wait3A_1183 = arith.constant 0 : i32
    %dma_wait3A_1184 = tpu.memref_slice %arg4[%dma_wait3A_1177, %add3A, %dma_wait3A_1182, %dma_wait3A_1183] : memref<8x32x32x256xf32, #tpu.memory_space<hbm>> -> memref<1x1x32x256xf32, #tpu.memory_space<hbm>>
    %dma_wait3A_1185 = tpu.memref_squeeze %dma_wait3A_1184 : memref<1x1x32x256xf32, #tpu.memory_space<hbm>> -> memref<32x256xf32, #tpu.memory_space<hbm>>
    tpu.wait_dma2 semaphore(%arg7 : memref<!tpu.dma_semaphore, #tpu.memory_space<semaphore_mem>>) src(%arg6 : memref<32x256xf32, #tpu.memory_space<vmem>>) dst(%dma_wait3A_1185 : memref<32x256xf32, #tpu.memory_space<hbm>>)
    %dma_wait3A_1186 = arith.constant 2 : i32
    %dma_wait3A_1187 = arith.constant 0 : i32
    %dma_wait3A_1188 = arith.constant 0 : i32
    %dma_wait3A_1189 = tpu.memref_slice %arg4[%dma_wait3A_1186, %add3A, %dma_wait3A_1187, %dma_wait3A_1188] : memref<8x32x32x256xf32, #tpu.memory_space<hbm>> -> memref<1x1x32x256xf32, #tpu.memory_space<hbm>>
    %dma_wait3A_1190 = tpu.memref_squeeze %dma_wait3A_1189 : memref<1x1x32x256xf32, #tpu.memory_space<hbm>> -> memref<32x256xf32, #tpu.memory_space<hbm>>
    %dma_wait3A_1191 = arith.constant 0 : i32
    %dma_wait3A_1192 = arith.constant 0 : i32
    %dma_wait3A_1193 = tpu.memref_slice %arg4[%dma_wait3A_1186, %add3A, %dma_wait3A_1191, %dma_wait3A_1192] : memref<8x32x32x256xf32, #tpu.memory_space<hbm>> -> memref<1x1x32x256xf32, #tpu.memory_space<hbm>>
    %dma_wait3A_1194 = tpu.memref_squeeze %dma_wait3A_1193 : memref<1x1x32x256xf32, #tpu.memory_space<hbm>> -> memref<32x256xf32, #tpu.memory_space<hbm>>
    tpu.wait_dma2 semaphore(%arg7 : memref<!tpu.dma_semaphore, #tpu.memory_space<semaphore_mem>>) src(%arg6 : memref<32x256xf32, #tpu.memory_space<vmem>>) dst(%dma_wait3A_1194 : memref<32x256xf32, #tpu.memory_space<hbm>>)
    %dma_wait3A_1195 = arith.constant 3 : i32
    %dma_wait3A_1196 = arith.constant 0 : i32
    %dma_wait3A_1197 = arith.constant 0 : i32
    %dma_wait3A_1198 = tpu.memref_slice %arg4[%dma_wait3A_1195, %add3A, %dma_wait3A_1196, %dma_wait3A_1197] : memref<8x32x32x256xf32, #tpu.memory_space<hbm>> -> memref<1x1x32x256xf32, #tpu.memory_space<hbm>>
    %dma_wait3A_1199 = tpu.memref_squeeze %dma_wait3A_1198 : memref<1x1x32x256xf32, #tpu.memory_space<hbm>> -> memref<32x256xf32, #tpu.memory_space<hbm>>
    %dma_wait3A_1200 = arith.constant 0 : i32
    %dma_wait3A_1201 = arith.constant 0 : i32
    %dma_wait3A_1202 = tpu.memref_slice %arg4[%dma_wait3A_1195, %add3A, %dma_wait3A_1200, %dma_wait3A_1201] : memref<8x32x32x256xf32, #tpu.memory_space<hbm>> -> memref<1x1x32x256xf32, #tpu.memory_space<hbm>>
    %dma_wait3A_1203 = tpu.memref_squeeze %dma_wait3A_1202 : memref<1x1x32x256xf32, #tpu.memory_space<hbm>> -> memref<32x256xf32, #tpu.memory_space<hbm>>
    tpu.wait_dma2 semaphore(%arg7 : memref<!tpu.dma_semaphore, #tpu.memory_space<semaphore_mem>>) src(%arg6 : memref<32x256xf32, #tpu.memory_space<vmem>>) dst(%dma_wait3A_1203 : memref<32x256xf32, #tpu.memory_space<hbm>>)
    %dma_wait3A_1204 = arith.constant 4 : i32
    %dma_wait3A_1205 = arith.constant 0 : i32
    %dma_wait3A_1206 = arith.constant 0 : i32
    %dma_wait3A_1207 = tpu.memref_slice %arg4[%dma_wait3A_1204, %add3A, %dma_wait3A_1205, %dma_wait3A_1206] : memref<8x32x32x256xf32, #tpu.memory_space<hbm>> -> memref<1x1x32x256xf32, #tpu.memory_space<hbm>>
    %dma_wait3A_1208 = tpu.memref_squeeze %dma_wait3A_1207 : memref<1x1x32x256xf32, #tpu.memory_space<hbm>> -> memref<32x256xf32, #tpu.memory_space<hbm>>
    %dma_wait3A_1209 = arith.constant 0 : i32
    %dma_wait3A_1210 = arith.constant 0 : i32
    %dma_wait3A_1211 = tpu.memref_slice %arg4[%dma_wait3A_1204, %add3A, %dma_wait3A_1209, %dma_wait3A_1210] : memref<8x32x32x256xf32, #tpu.memory_space<hbm>> -> memref<1x1x32x256xf32, #tpu.memory_space<hbm>>
    %dma_wait3A_1212 = tpu.memref_squeeze %dma_wait3A_1211 : memref<1x1x32x256xf32, #tpu.memory_space<hbm>> -> memref<32x256xf32, #tpu.memory_space<hbm>>
    tpu.wait_dma2 semaphore(%arg7 : memref<!tpu.dma_semaphore, #tpu.memory_space<semaphore_mem>>) src(%arg6 : memref<32x256xf32, #tpu.memory_space<vmem>>) dst(%dma_wait3A_1212 : memref<32x256xf32, #tpu.memory_space<hbm>>)
    %dma_wait3A_1213 = arith.constant 5 : i32
    %dma_wait3A_1214 = arith.constant 0 : i32
    %dma_wait3A_1215 = arith.constant 0 : i32
    %dma_wait3A_1216 = tpu.memref_slice %arg4[%dma_wait3A_1213, %add3A, %dma_wait3A_1214, %dma_wait3A_1215] : memref<8x32x32x256xf32, #tpu.memory_space<hbm>> -> memref<1x1x32x256xf32, #tpu.memory_space<hbm>>
    %dma_wait3A_1217 = tpu.memref_squeeze %dma_wait3A_1216 : memref<1x1x32x256xf32, #tpu.memory_space<hbm>> -> memref<32x256xf32, #tpu.memory_space<hbm>>
    %dma_wait3A_1218 = arith.constant 0 : i32
    %dma_wait3A_1219 = arith.constant 0 : i32
    %dma_wait3A_1220 = tpu.memref_slice %arg4[%dma_wait3A_1213, %add3A, %dma_wait3A_1218, %dma_wait3A_1219] : memref<8x32x32x256xf32, #tpu.memory_space<hbm>> -> memref<1x1x32x256xf32, #tpu.memory_space<hbm>>
    %dma_wait3A_1221 = tpu.memref_squeeze %dma_wait3A_1220 : memref<1x1x32x256xf32, #tpu.memory_space<hbm>> -> memref<32x256xf32, #tpu.memory_space<hbm>>
    tpu.wait_dma2 semaphore(%arg7 : memref<!tpu.dma_semaphore, #tpu.memory_space<semaphore_mem>>) src(%arg6 : memref<32x256xf32, #tpu.memory_space<vmem>>) dst(%dma_wait3A_1221 : memref<32x256xf32, #tpu.memory_space<hbm>>)
    %dma_wait3A_1222 = arith.constant 6 : i32
    %dma_wait3A_1223 = arith.constant 0 : i32
    %dma_wait3A_1224 = arith.constant 0 : i32
    %dma_wait3A_1225 = tpu.memref_slice %arg4[%dma_wait3A_1222, %add3A, %dma_wait3A_1223, %dma_wait3A_1224] : memref<8x32x32x256xf32, #tpu.memory_space<hbm>> -> memref<1x1x32x256xf32, #tpu.memory_space<hbm>>
    %dma_wait3A_1226 = tpu.memref_squeeze %dma_wait3A_1225 : memref<1x1x32x256xf32, #tpu.memory_space<hbm>> -> memref<32x256xf32, #tpu.memory_space<hbm>>
    %dma_wait3A_1227 = arith.constant 0 : i32
    %dma_wait3A_1228 = arith.constant 0 : i32
    %dma_wait3A_1229 = tpu.memref_slice %arg4[%dma_wait3A_1222, %add3A, %dma_wait3A_1227, %dma_wait3A_1228] : memref<8x32x32x256xf32, #tpu.memory_space<hbm>> -> memref<1x1x32x256xf32, #tpu.memory_space<hbm>>
    %dma_wait3A_1230 = tpu.memref_squeeze %dma_wait3A_1229 : memref<1x1x32x256xf32, #tpu.memory_space<hbm>> -> memref<32x256xf32, #tpu.memory_space<hbm>>
    tpu.wait_dma2 semaphore(%arg7 : memref<!tpu.dma_semaphore, #tpu.memory_space<semaphore_mem>>) src(%arg6 : memref<32x256xf32, #tpu.memory_space<vmem>>) dst(%dma_wait3A_1230 : memref<32x256xf32, #tpu.memory_space<hbm>>)
    %dma_wait3A_1231 = arith.constant 7 : i32
    %dma_wait3A_1232 = arith.constant 0 : i32
    %dma_wait3A_1233 = arith.constant 0 : i32
    %dma_wait3A_1234 = tpu.memref_slice %arg4[%dma_wait3A_1231, %add3A, %dma_wait3A_1232, %dma_wait3A_1233] : memref<8x32x32x256xf32, #tpu.memory_space<hbm>> -> memref<1x1x32x256xf32, #tpu.memory_space<hbm>>
    %dma_wait3A_1235 = tpu.memref_squeeze %dma_wait3A_1234 : memref<1x1x32x256xf32, #tpu.memory_space<hbm>> -> memref<32x256xf32, #tpu.memory_space<hbm>>
    %dma_wait3A_1236 = arith.constant 0 : i32
    %dma_wait3A_1237 = arith.constant 0 : i32
    %dma_wait3A_1238 = tpu.memref_slice %arg4[%dma_wait3A_1231, %add3A, %dma_wait3A_1236, %dma_wait3A_1237] : memref<8x32x32x256xf32, #tpu.memory_space<hbm>> -> memref<1x1x32x256xf32, #tpu.memory_space<hbm>>
    %dma_wait3A_1239 = tpu.memref_squeeze %dma_wait3A_1238 : memref<1x1x32x256xf32, #tpu.memory_space<hbm>> -> memref<32x256xf32, #tpu.memory_space<hbm>>
    tpu.wait_dma2 semaphore(%arg7 : memref<!tpu.dma_semaphore, #tpu.memory_space<semaphore_mem>>) src(%arg6 : memref<32x256xf32, #tpu.memory_space<vmem>>) dst(%dma_wait3A_1239 : memref<32x256xf32, #tpu.memory_space<hbm>>)
    return
  }
}

</mosaic_0001>

<sc_bundles>
// kernel: kernel.3.cloned.1.call-start
scs
__scs_entry_jumppad:
0x0: {  	(pc) =	sbr.rel $0x88, $3  }
0x1: {  	(tag) =	ssettag $0x0;
	lr =	simm.s32 $0x1  }
0x2: {  	[smem:$0x3F9F] =	sst lr;
	_ =	strace $0xD0000000  }
0x3: {  	_ = 	snop  }
0x4: {  	_ = 	snop  }
0x5: {  	_ = 	snop  }
0x6: {  	_ = 	snop  }
0x7: {  	_ = 	snop  }
__scs_overlays_trampoline_lowered:
0x8: {  	[smem:$0x3FAE] =	sst s0  }
0x9: {  	[smem:$0x3FAF] =	sst s1  }
0xa: {  	[smem:$0x3FB0] =	sst s2  }
0xb: {  	[smem:$0x3FB1] =	sst s3  }
0xc: {  	[smem:$0x3FB2] =	sst s4  }
0xd: {  	[smem:$0x3FB3] =	sst s5  }
0xe: {  	[smem:$0x3FB4] =	sst s6  }
0xf: {  	[smem:$0x3FB5] =	sst s7  }
0x10: {  	[smem:$0x3FB6] =	sst s8  }
0x11: {  	[smem:$0x3FB7] =	sst s9;
	s0 =	simm.s32 @!p0 $0x0  }
0x12: {  	s1 =	sld [smem:$0x3F9D];
	s0 =	simm.s32 @p0 $0x1  }
0x13: {  	[smem:$0x3FB8] =	sst s0;
	s0 =	simm.s32 @!p1 $0x0  }
0x14: {  	s2 =	sld [smem:$0x3F9C];
	s0 =	simm.s32 @p1 $0x1  }
0x15: {  	[smem:$0x3FB9] =	sst s0;
	s0 =	simm.s32 @!p2 $0x0  }
0x16: {  	s3 =	sld [smem:$0x3FDB];
	s0 =	simm.s32 @p2 $0x1  }
0x17: {  	s4 =	simm.s32 $0x1BF5;
	[smem:$0x3FBB] =	sst s0  }
0x18: {  	s0 =	sld [smem:$0x3F9E];
	_ =	swait.ge [sflag:s4], $0x0  }
0x19: {  	s7 =	sld [smem:$0x3F9F]  }
0x1a: {  	s8 =	sadd.s32 $0xFFFFE003, lr  }
0x1b: {  	s9 =	sadd.s32 $0xFFFFFEF7, lr;
	s5 =	simm.s32 $0xFFFFFFFF;
	p2 =	slt.u32 s8, $0xFFFFF086  }
0x1c: {  	p1 =	slt.u32 s9, $0xF7A;
	s5 =	simm.s32 @!p2 $0x0  }
0x1d: {  	s5 =	simm.s32 @p1 $0x1;
	p0 =	seq.s32 s7, s2  }
0x1e: {  	s7 =	smul.u32 @!p0 $0xF7A, s2;
	p2 =	seq.s32 @!p0 s5, $0x0  }
0x1f: {  	s9 =	smul.u32 $0xF7A, s1;
	s8 =	simm.s32 @!p0 $0x1BF5;
	p2 =	por !p2, p0  }
0x20: {  	[sflag:s8] =	ssyncset.s32 @!p0 $0xFFFFF086;
	s6 =	sadd.s32 @!p0 s3, s7;
	s7 =	simm.s32 @!p0 $0x108  }
0x21: {  	s3 =	sadd.s32 s3, s9;
	s6 =	sadd.s32 @!p0 $0x88, s6;
	s7 =	simm.s32 @p2 $0x1082  }
0x22: {  	[simem:s7], [sflag:s8] =	dma.local @!p0 [hbm:s6], $0xF7A  }
0x23: {  	s9 =	sor.u32 $0xD0000000, s2;
	s6 =	simm.s32 $0x108;
	_ =	swait.ge @!p0 [sflag:s8], $0x0  }
0x24: {  	s3 =	sadd.s32 $0x88, s3;
	s6 =	simm.s32 @!p1 $0x1082;
	[sflag:s4] =	ssyncset.s32 $0xFFFFF086  }
0x25: {  	[simem:s6], [sflag:s4] =	dma.local [hbm:s3], $0xF7A  }
0x26: {  	[smem:$0x3F9F] =	sst s1;
	(tag) =	ssettag s2;
	_ =	strace s9  }
0x27: {  	s1 =	sld [smem:$0x3FAF]  }
0x28: {  	s2 =	sld [smem:$0x3FB0]  }
0x29: {  	s4 =	sld [smem:$0x3FB2]  }
0x2a: {  	p0 =	seq.s32 s5, $0x0;
	s5 =	sld [smem:$0x3FB3]  }
0x2b: {  	s6 =	sld [smem:$0x3FB4]  }
0x2c: {  	s7 =	sld [smem:$0x3FB5]  }
0x2d: {  	s3 =	simm.s32 $0x108;
	s8 =	sld [smem:$0x3FB6]  }
0x2e: {  	s3 =	simm.s32 @!p0 $0x1082;
	s9 =	sld [smem:$0x3FB7]  }
0x2f: {  	lr =	sadd.s32 s0, s3;
	s0 =	sld [smem:$0x3FAE]  }
0x30: {  	s3 =	sld [smem:$0x3FB1]  }
0x31: {  	[smem:$0x3FBA] =	sst s10  }
0x32: {  	s10 =	sld [smem:$0x3FB8];
	_ =	sdelay $0x3  }
0x33: {  	p0 =	seq.s32 s10, $0x1;
	s10 =	sld [smem:$0x3FBA];
	_ =	sdelay $0x3  }
0x34: {  	[smem:$0x3FBA] =	sst s10  }
0x35: {  	s10 =	sld [smem:$0x3FB9];
	_ =	sdelay $0x3  }
0x36: {  	p1 =	seq.s32 s10, $0x1;
	s10 =	sld [smem:$0x3FBA];
	_ =	sdelay $0x3  }
0x37: {  	[smem:$0x3FBA] =	sst s10  }
0x38: {  	s10 =	sld [smem:$0x3FBB]  }
0x39: {  	_ = 	snop;
	(pc) =	sbr.ind lr, $3  }
0x3a: {  	_ = 	snop  }
0x3b: {  	_ = 	snop  }
0x3c: {  	p2 =	seq.s32 s10, $0x1;
	s10 =	sld [smem:$0x3FBA]  }
0x3d: {  	_ =	shalt  }
0x3e: {  	_ =	shalt  }
0x3f: {  	_ =	shalt  }
0x40: {  	_ =	shalt  }
0x41: {  	_ =	shalt  }
0x42: {  	_ =	shalt  }
0x43: {  	_ =	shalt  }
0x44: {  	_ =	shalt  }
0x45: {  	_ =	shalt  }
0x46: {  	_ =	shalt  }
0x47: {  	_ =	shalt  }
0x48: {  	_ =	shalt  }
0x49: {  	_ =	shalt  }
0x4a: {  	_ =	shalt  }
0x4b: {  	_ =	shalt  }
0x4c: {  	_ =	shalt  }
0x4d: {  	_ =	shalt  }
0x4e: {  	_ =	shalt  }
0x4f: {  	_ =	shalt  }
0x50: {  	_ =	shalt  }
0x51: {  	_ =	shalt  }
0x52: {  	_ =	shalt  }
0x53: {  	_ =	shalt  }
0x54: {  	_ =	shalt  }
0x55: {  	_ =	shalt  }
0x56: {  	_ =	shalt  }
0x57: {  	_ =	shalt  }
0x58: {  	_ =	shalt  }
0x59: {  	_ =	shalt  }
0x5a: {  	_ =	shalt  }
0x5b: {  	_ =	shalt  }
0x5c: {  	_ =	shalt  }
0x5d: {  	_ =	shalt  }
0x5e: {  	_ =	shalt  }
0x5f: {  	_ =	shalt  }
0x60: {  	_ =	shalt  }
0x61: {  	_ =	shalt  }
0x62: {  	_ =	shalt  }
0x63: {  	_ =	shalt  }
0x64: {  	_ =	shalt  }
0x65: {  	_ =	shalt  }
0x66: {  	_ =	shalt  }
0x67: {  	_ =	shalt  }
0x68: {  	_ =	shalt  }
0x69: {  	_ =	shalt  }
0x6a: {  	_ =	shalt  }
0x6b: {  	_ =	shalt  }
0x6c: {  	_ =	shalt  }
0x6d: {  	_ =	shalt  }
0x6e: {  	_ =	shalt  }
0x6f: {  	_ =	shalt  }
0x70: {  	_ =	shalt  }
0x71: {  	_ =	shalt  }
0x72: {  	_ =	shalt  }
0x73: {  	_ =	shalt  }
0x74: {  	_ =	shalt  }
0x75: {  	_ =	shalt  }
0x76: {  	_ =	shalt  }
0x77: {  	_ =	shalt  }
0x78: {  	_ =	shalt  }
0x79: {  	_ =	shalt  }
0x7a: {  	_ =	shalt  }
0x7b: {  	_ =	shalt  }
0x7c: {  	_ =	shalt  }
0x7d: {  	_ =	shalt  }
0x7e: {  	_ =	shalt  }
0x7f: {  	_ =	shalt  }
0x80: {  	_ =	shalt  }
0x81: {  	_ =	shalt  }
0x82: {  	_ =	shalt  }
0x83: {  	_ =	shalt  }
0x84: {  	_ =	shalt  }
0x85: {  	_ =	shalt  }
0x86: {  	_ =	shalt  }
0x87: {  	_ =	shalt  }
.Lfunc_end0:
.L_simem_size_0:
called_computation_lowered:
.L_overlay_start_0:
0x88: {  	s2 =	sld [smem:$0x3FD9]  }
0x89: {  	s3 =	sld [smem:$0x3FFE];
	_ =	sdelay $0x1  }
0x8a: {  	s1 =	srdreg.scid  }
0x8b: {  	s0 =	sand.u32 $0x1, s1  }
0x8c: {  	s18 =	sshll.u32 s0, $0xA;
	s2 =	sadd.s32 s3, s2  }
0x8d: {  	s2 =	sadd.s32 s2, s18  }
0x8e: {  	[smem:$0x3FC6] =	sst s2  }
0x8f: {  	_ = 	snop  }
0x90: {  	s2 =	sld [smem:$0x3FC9]  }
0x91: {  	s19 =	sld [smem:$0x3FC8]  }
0x92: {  	s4 =	sld [smem:$0x3FD0];
	(tm) =	ssettm $0x1  }
0x93: {  	s5 =	sld [smem:$0x3FFB];
	_ =	sdelay $0x3  }
0x94: {  	_ =	strace s5  }
0x95: {  	s5 =	sld [smem:$0x3FFC];
	_ =	sdelay $0x3  }
0x96: {  	_ =	strace s5  }
0x97: {  	s5 =	sld [smem:$0x3FFD];
	_ =	sdelay $0x3  }
0x98: {  	_ =	strace s5  }
0x99: {  	_ =	strace $0x8FFFFFFF  }
0x9a: {  	s20 =	sld [smem:$0x3FDB];
	_ =	sdelay $0x1  }
0x9b: {  	s6 =	simm.s32 $_scs_section_size  }
0x9c: {  	s7 =	simm.s32 $_size__tile_overlayer_lowered;
	s8 =	simm.s32 $_tile_overlayer_lowered  }
0x9d: {  	s23 =	simm.s32 $0x1BFF;
	s22 =	sshll.u32 s8, $0x1;
	s5 =	sadd.s32 s6, s20  }
0x9e: {  	s9 =	simm.s32 $0x0;
	s21 =	sshll.u32 s7, $0x1;
	s7 =	sadd.s32 s22, s5  }
0x9f: {  	[timem:s9], [sflag:s23] =	dma.local [hbm:s7], s21  }
0xa0: {  	_ =	swait.ge [sflag:s23], s21  }
0xa1: {  	s6 =	ssub.s32 $0x0, s21;
	[sflag:s23] =	ssyncset.done $0x0  }
0xa2: {  	[sflag:s23] =	ssyncadd.s32 s6;
	_ =	sdelay $0x1  }
0xa3: {  	s24 =	simm.s32 $0x1B8B  }
0xa4: {  	_ =	swait.ge [sflag:s24], $0x1  }
0xa5: {  	[sflag:s24] =	ssyncset.done $0x0  }
0xa6: {  	s25 =	simm.s32 $0x1B8E;
	[sflag:s24] =	ssyncadd.s32 $0xFFFFFFFF  }
0xa7: {  	s26 =	simm.s32 $execute0_lowered;
	[smem:$0x3FD2] =	sst s25  }
0xa8: {  	s6 =	sshll.u32 s26, $0x1;
	_ =	strace $0x80000046;
	[dreg:$0x1] =	wrdreg $0xFFFFFFFF  }
0xa9: {  	s28 =	simm.s32 $_size_execute0_lowered;
	s5 =	sadd.s32 s5, s6;
	[dreg:$0x0] =	wrdreg $0x0  }
0xaa: {  	s6 =	sshll.u32 s28, $0x1;
	[dreg:$0x2] =	wrdreg s5  }
0xab: {  	[dreg:$0x3] =	wrdreg s6  }
0xac: {  	[dreg:$0x4] =	wrdreg $0xC0  }
0xad: {  	_ =	task [dreg:s9], $0x5FFFF  }
0xae: {  	[dreg:$0x1] =	wrdreg $0xFFFFFFFF  }
0xaf: {  	[dreg:$0x0] =	wrdreg $0x60  }
0xb0: {  	[dreg:$0x2] =	wrdreg s2  }
0xb1: {  	[dreg:$0x3] =	wrdreg s19  }
0xb2: {  	[dreg:$0x4] =	wrdreg s4  }
0xb3: {  	[dreg:$0x5] =	wrdreg $0x9  }
0xb4: {  	_ =	task.clear_ibuf [dreg:s9], $0x6FFFF;
	_ =	strace $0x90000046  }
0xb5: {  	s29 =	simm.s32 $0x9;
	_ =	strace $0x80000048  }
0xb6: {  	_ =	swait.ge [sflag:s29], $0x1  }
0xb7: {  	[sflag:s29] =	ssyncadd.s32 $0xFFFFFFFF  }
0xb8: {  	_ =	strace $0x90000048  }
0xb9: {  	_ =	sfence  }
0xba: {  	s30 =	sld [smem:$0x0];
	_ =	sdelay $0x2  }
0xbb: {  	s31 =	sshll.u32 s1, $0xD;
	s1 =	sshrl.u32 s1, $0x2  }
0xbc: {  	s3 =	sand.u32 $0x4000, s31;
	s1 =	sadd.s32 s1, s30  }
0xbd: {  	s0 =	sor.u32 s3, s0;
	s1 =	sshll.u32 s1, $0x11  }
0xbe: {  	s0 =	sor.u32 s1, s0  }
0xbf: {  	s0 =	sadd.s32 $0x8F2B, s0  }
0xc0: {  	[sflag:s0] =	ssyncadd.remote.s32 $0x1  }
0xc1: {  	_ =	sfence.sel $0xFFFF  }
0xc2: {  	[dreg:$0x0] =	wrdreg $0xFFFFFFFF;
	(pc) =	sbr.abs _section_cstart, $3  }
0xc3: {  	[dreg:$0x1] =	wrdreg $0xFFFFFFFF  }
0xc4: {  	_ =	task.clear_ibuf [dreg:s9], $0x2FFFF;
	_ =	strace $0x9FFFFFFF  }
0xc5: {  	(tm) =	ssettm $0x7FFFFFFF  }
tec
execute0_lowered:
.L_overlay_start_1:
0x0: {  	(tag) =	ssettag $0x1  }
0x1: {  	s1 =	rddreg [dreg:$0x0]  }
0x2: {  	s2 =	rddreg [dreg:$0x1];
	s0 =	srdreg.scid  }
0x3: {  	s5 =	rddreg [dreg:$0x2];
	s3 =	stileid.u32  }
0x4: {  	s4 =	simm.s32 $0x0;
	s17 =	simm.s32 $0x1000;
	s18 =	simm.s32 $0x1800  }
0x5: {  	s19 =	simm.s32 $0x2000;
	s21 =	simm.s32 $0x2;
	s6 =	sand.u32 $0x1, s0  }
0x6: {  	v5 =	vlaneseq.u32;
	s22 =	simm.s32 $0x1;
	s0 =	rddreg [dreg:$0x3];
	s7 =	sshll.u32 s6, $0x4  }
0x7: {  	[smem:$0x7FF] =	sst s4;
	v1 =	vor.u32 $0x10, v5;
	v2 =	vor.u32 $0x20, v5;
	v3 =	vor.u32 $0x30, v5;
	s14 =	sadd.s32 $0x80, s2;
	s7 =	sor.u32 s3, s7  }
0x8: {  	v4 =	vor.u32 $0x40, v5;
	s15 =	sadd.s32 $0x100, s2;
	v6 =	vor.u32 $0x50, v5;
	v7 =	vor.u32 $0x60, v5;
	s6 =	ssub.s32 $0x2, s6;
	s20 =	sshll.u32 s7, $0x7  }
0x9: {  	s16 =	sadd.s32 $0x180, s2;
	v8 =	vor.u32 $0x70, v5;
	s8 =	sshrl.u32 s6, $0x1;
	s9 =	sshll.u32 s7, $0xA;
	v0 =	vor.u32 s20, v5;
	v1 =	vor.u32 s20, v1  }
0xa: {  	_ =	strace $0x80000047;
	s13 =	ssub.s32 s6, s8;
	s5 =	sadd.s32 s5, s9;
	v2 =	vor.u32 s20, v2;
	v3 =	vor.u32 s20, v3;
	v4 =	vor.u32 s20, v4  }
0xb: {  	s13 =	smax.u32 s13, $0x1;
	v5 =	vor.u32 s20, v6;
	v6 =	vor.u32 s20, v7;
	v7 =	vor.u32 s20, v8;
	s20 =	simm.s32 $0x2800;
	s6 =	sadd.s32 $0x8000, s5  }
0xc: {  	s7 =	sadd.s32 $0x10000, s5;
	s8 =	sadd.s32 $0x18000, s5;
	s9 =	sadd.s32 $0x20000, s5  }
0xd: {  	s10 =	sadd.s32 $0x28000, s5;
	s11 =	sadd.s32 $0x30000, s5;
	s12 =	sadd.s32 $0x38000, s5  }
.LBB2_1:
0xe: {  	[tilespmem:s17], [sflag:$0x1] =	stream.linear.gather [hbm4b:s2+s4], $0x400, $0x38;
	[tilespmem:$0x3000] =	vst v63  }
0xf: {  	_ = 	snop  }
0x10: {  	[tilespmem:s18], [sflag:$0x1] =	stream.linear.gather [hbm4b:s14+s4], $0x400, $0x38;
	[tilespmem:$0x3000] =	vst v63  }
0x11: {  	_ = 	snop  }
0x12: {  	[tilespmem:s19], [sflag:$0x1] =	stream.linear.gather [hbm4b:s15+s4], $0x400, $0x38;
	[tilespmem:$0x3000] =	vst v63  }
0x13: {  	_ = 	snop  }
0x14: {  	[tilespmem:s20], [sflag:$0x1] =	stream.linear.gather [hbm4b:s16+s4], $0x400, $0x38;
	[tilespmem:$0x3000] =	vst v63  }
0x15: {  	_ = 	snop  }
0x16: {  	[tilespmem:s4], [sflag:$0x2] =	stream.linear.gather [hbm4b:s1+s4], $0x1000, $0x38;
	[tilespmem:$0x3000] =	vst v63  }
0x17: {  	_ =	swait.ge [sflag:s21], $0x1000  }
0x18: {  	[sflag:s21] =	ssyncset.done $0x0  }
0x19: {  	[sflag:s21] =	ssyncadd.s32 $0xFFFFF000  }
0x1a: {  	v8 =	vld.idx.msk [tilespmem:v0+s4+$0x0], $0xffff;
	_ =	sdelay $0x4  }
0x1b: {  	[tilespmem:$0x1400] =	vst v8  }
0x1c: {  	[tilespmem:$0x1480] =	vst v8  }
0x1d: {  	[tilespmem:$0x1500] =	vst v8  }
0x1e: {  	[tilespmem:$0x1580] =	vst v8  }
0x1f: {  	[tilespmem:$0x1600] =	vst v8  }
0x20: {  	[tilespmem:$0x1680] =	vst v8  }
0x21: {  	[tilespmem:$0x1700] =	vst v8  }
0x22: {  	[tilespmem:$0x1780] =	vst v8  }
0x23: {  	[tilespmem:$0x1C00] =	vst v8  }
0x24: {  	[tilespmem:$0x1C80] =	vst v8  }
0x25: {  	[tilespmem:$0x1D00] =	vst v8  }
0x26: {  	[tilespmem:$0x1D80] =	vst v8  }
0x27: {  	[tilespmem:$0x1E00] =	vst v8  }
0x28: {  	[tilespmem:$0x1E80] =	vst v8  }
0x29: {  	[tilespmem:$0x1F00] =	vst v8  }
0x2a: {  	[tilespmem:$0x1F80] =	vst v8  }
0x2b: {  	[tilespmem:$0x2400] =	vst v8  }
0x2c: {  	[tilespmem:$0x2480] =	vst v8  }
0x2d: {  	[tilespmem:$0x2500] =	vst v8  }
0x2e: {  	[tilespmem:$0x2580] =	vst v8  }
0x2f: {  	[tilespmem:$0x2600] =	vst v8  }
0x30: {  	[tilespmem:$0x2680] =	vst v8  }
0x31: {  	[tilespmem:$0x2700] =	vst v8  }
0x32: {  	[tilespmem:$0x2780] =	vst v8  }
0x33: {  	[tilespmem:$0x2C00] =	vst v8  }
0x34: {  	[tilespmem:$0x2C80] =	vst v8  }
0x35: {  	[tilespmem:$0x2D00] =	vst v8  }
0x36: {  	[tilespmem:$0x2D80] =	vst v8  }
0x37: {  	[tilespmem:$0x2E00] =	vst v8  }
0x38: {  	[tilespmem:$0x2E80] =	vst v8  }
0x39: {  	[tilespmem:$0x2F00] =	vst v8  }
0x3a: {  	[tilespmem:$0x2F80] =	vst v8  }
0x3b: {  	v8 =	vld.idx.msk [tilespmem:v1+s4+$0x0], $0xffff;
	_ =	sdelay $0x4  }
0x3c: {  	[tilespmem:$0x1410] =	vst v8  }
0x3d: {  	[tilespmem:$0x1490] =	vst v8  }
0x3e: {  	[tilespmem:$0x1510] =	vst v8  }
0x3f: {  	[tilespmem:$0x1590] =	vst v8  }
0x40: {  	[tilespmem:$0x1610] =	vst v8  }
0x41: {  	[tilespmem:$0x1690] =	vst v8  }
0x42: {  	[tilespmem:$0x1710] =	vst v8  }
0x43: {  	[tilespmem:$0x1790] =	vst v8  }
0x44: {  	[tilespmem:$0x1C10] =	vst v8  }
0x45: {  	[tilespmem:$0x1C90] =	vst v8  }
0x46: {  	[tilespmem:$0x1D10] =	vst v8  }
0x47: {  	[tilespmem:$0x1D90] =	vst v8  }
0x48: {  	[tilespmem:$0x1E10] =	vst v8  }
0x49: {  	[tilespmem:$0x1E90] =	vst v8  }
0x4a: {  	[tilespmem:$0x1F10] =	vst v8  }
0x4b: {  	[tilespmem:$0x1F90] =	vst v8  }
0x4c: {  	[tilespmem:$0x2410] =	vst v8  }
0x4d: {  	[tilespmem:$0x2490] =	vst v8  }
0x4e: {  	[tilespmem:$0x2510] =	vst v8  }
0x4f: {  	[tilespmem:$0x2590] =	vst v8  }
0x50: {  	[tilespmem:$0x2610] =	vst v8  }
0x51: {  	[tilespmem:$0x2690] =	vst v8  }
0x52: {  	[tilespmem:$0x2710] =	vst v8  }
0x53: {  	[tilespmem:$0x2790] =	vst v8  }
0x54: {  	[tilespmem:$0x2C10] =	vst v8  }
0x55: {  	[tilespmem:$0x2C90] =	vst v8  }
0x56: {  	[tilespmem:$0x2D10] =	vst v8  }
0x57: {  	[tilespmem:$0x2D90] =	vst v8  }
0x58: {  	[tilespmem:$0x2E10] =	vst v8  }
0x59: {  	[tilespmem:$0x2E90] =	vst v8  }
0x5a: {  	[tilespmem:$0x2F10] =	vst v8  }
0x5b: {  	[tilespmem:$0x2F90] =	vst v8  }
0x5c: {  	v8 =	vld.idx.msk [tilespmem:v2+s4+$0x0], $0xffff;
	_ =	sdelay $0x4  }
0x5d: {  	[tilespmem:$0x1420] =	vst v8  }
0x5e: {  	[tilespmem:$0x14A0] =	vst v8  }
0x5f: {  	[tilespmem:$0x1520] =	vst v8  }
0x60: {  	[tilespmem:$0x15A0] =	vst v8  }
0x61: {  	[tilespmem:$0x1620] =	vst v8  }
0x62: {  	[tilespmem:$0x16A0] =	vst v8  }
0x63: {  	[tilespmem:$0x1720] =	vst v8  }
0x64: {  	[tilespmem:$0x17A0] =	vst v8  }
0x65: {  	[tilespmem:$0x1C20] =	vst v8  }
0x66: {  	[tilespmem:$0x1CA0] =	vst v8  }
0x67: {  	[tilespmem:$0x1D20] =	vst v8  }
0x68: {  	[tilespmem:$0x1DA0] =	vst v8  }
0x69: {  	[tilespmem:$0x1E20] =	vst v8  }
0x6a: {  	[tilespmem:$0x1EA0] =	vst v8  }
0x6b: {  	[tilespmem:$0x1F20] =	vst v8  }
0x6c: {  	[tilespmem:$0x1FA0] =	vst v8  }
0x6d: {  	[tilespmem:$0x2420] =	vst v8  }
0x6e: {  	[tilespmem:$0x24A0] =	vst v8  }
0x6f: {  	[tilespmem:$0x2520] =	vst v8  }
0x70: {  	[tilespmem:$0x25A0] =	vst v8  }
0x71: {  	[tilespmem:$0x2620] =	vst v8  }
0x72: {  	[tilespmem:$0x26A0] =	vst v8  }
0x73: {  	[tilespmem:$0x2720] =	vst v8  }
0x74: {  	[tilespmem:$0x27A0] =	vst v8  }
0x75: {  	[tilespmem:$0x2C20] =	vst v8  }
0x76: {  	[tilespmem:$0x2CA0] =	vst v8  }
0x77: {  	[tilespmem:$0x2D20] =	vst v8  }
0x78: {  	[tilespmem:$0x2DA0] =	vst v8  }
0x79: {  	[tilespmem:$0x2E20] =	vst v8  }
0x7a: {  	[tilespmem:$0x2EA0] =	vst v8  }
0x7b: {  	[tilespmem:$0x2F20] =	vst v8  }
0x7c: {  	[tilespmem:$0x2FA0] =	vst v8  }
0x7d: {  	v8 =	vld.idx.msk [tilespmem:v3+s4+$0x0], $0xffff;
	_ =	sdelay $0x4  }
0x7e: {  	[tilespmem:$0x1430] =	vst v8  }
0x7f: {  	[tilespmem:$0x14B0] =	vst v8  }
0x80: {  	[tilespmem:$0x1530] =	vst v8  }
0x81: {  	[tilespmem:$0x15B0] =	vst v8  }
0x82: {  	[tilespmem:$0x1630] =	vst v8  }
0x83: {  	[tilespmem:$0x16B0] =	vst v8  }
0x84: {  	[tilespmem:$0x1730] =	vst v8  }
0x85: {  	[tilespmem:$0x17B0] =	vst v8  }
0x86: {  	[tilespmem:$0x1C30] =	vst v8  }
0x87: {  	[tilespmem:$0x1CB0] =	vst v8  }
0x88: {  	[tilespmem:$0x1D30] =	vst v8  }
0x89: {  	[tilespmem:$0x1DB0] =	vst v8  }
0x8a: {  	[tilespmem:$0x1E30] =	vst v8  }
0x8b: {  	[tilespmem:$0x1EB0] =	vst v8  }
0x8c: {  	[tilespmem:$0x1F30] =	vst v8  }
0x8d: {  	[tilespmem:$0x1FB0] =	vst v8  }
0x8e: {  	[tilespmem:$0x2430] =	vst v8  }
0x8f: {  	[tilespmem:$0x24B0] =	vst v8  }
0x90: {  	[tilespmem:$0x2530] =	vst v8  }
0x91: {  	[tilespmem:$0x25B0] =	vst v8  }
0x92: {  	[tilespmem:$0x2630] =	vst v8  }
0x93: {  	[tilespmem:$0x26B0] =	vst v8  }
0x94: {  	[tilespmem:$0x2730] =	vst v8  }
0x95: {  	[tilespmem:$0x27B0] =	vst v8  }
0x96: {  	[tilespmem:$0x2C30] =	vst v8  }
0x97: {  	[tilespmem:$0x2CB0] =	vst v8  }
0x98: {  	[tilespmem:$0x2D30] =	vst v8  }
0x99: {  	[tilespmem:$0x2DB0] =	vst v8  }
0x9a: {  	[tilespmem:$0x2E30] =	vst v8  }
0x9b: {  	[tilespmem:$0x2EB0] =	vst v8  }
0x9c: {  	[tilespmem:$0x2F30] =	vst v8  }
0x9d: {  	[tilespmem:$0x2FB0] =	vst v8  }
0x9e: {  	v8 =	vld.idx.msk [tilespmem:v4+s4+$0x0], $0xffff;
	_ =	sdelay $0x4  }
0x9f: {  	[tilespmem:$0x1440] =	vst v8  }
0xa0: {  	[tilespmem:$0x14C0] =	vst v8  }
0xa1: {  	[tilespmem:$0x1540] =	vst v8  }
0xa2: {  	[tilespmem:$0x15C0] =	vst v8  }
0xa3: {  	[tilespmem:$0x1640] =	vst v8  }
0xa4: {  	[tilespmem:$0x16C0] =	vst v8  }
0xa5: {  	[tilespmem:$0x1740] =	vst v8  }
0xa6: {  	[tilespmem:$0x17C0] =	vst v8  }
0xa7: {  	[tilespmem:$0x1C40] =	vst v8  }
0xa8: {  	[tilespmem:$0x1CC0] =	vst v8  }
0xa9: {  	[tilespmem:$0x1D40] =	vst v8  }
0xaa: {  	[tilespmem:$0x1DC0] =	vst v8  }
0xab: {  	[tilespmem:$0x1E40] =	vst v8  }
0xac: {  	[tilespmem:$0x1EC0] =	vst v8  }
0xad: {  	[tilespmem:$0x1F40] =	vst v8  }
0xae: {  	[tilespmem:$0x1FC0] =	vst v8  }
0xaf: {  	[tilespmem:$0x2440] =	vst v8  }
0xb0: {  	[tilespmem:$0x24C0] =	vst v8  }
0xb1: {  	[tilespmem:$0x2540] =	vst v8  }
0xb2: {  	[tilespmem:$0x25C0] =	vst v8  }
0xb3: {  	[tilespmem:$0x2640] =	vst v8  }
0xb4: {  	[tilespmem:$0x26C0] =	vst v8  }
0xb5: {  	[tilespmem:$0x2740] =	vst v8  }
0xb6: {  	[tilespmem:$0x27C0] =	vst v8  }
0xb7: {  	[tilespmem:$0x2C40] =	vst v8  }
0xb8: {  	[tilespmem:$0x2CC0] =	vst v8  }
0xb9: {  	[tilespmem:$0x2D40] =	vst v8  }
0xba: {  	[tilespmem:$0x2DC0] =	vst v8  }
0xbb: {  	[tilespmem:$0x2E40] =	vst v8  }
0xbc: {  	[tilespmem:$0x2EC0] =	vst v8  }
0xbd: {  	[tilespmem:$0x2F40] =	vst v8  }
0xbe: {  	[tilespmem:$0x2FC0] =	vst v8  }
0xbf: {  	v8 =	vld.idx.msk [tilespmem:v5+s4+$0x0], $0xffff;
	_ =	sdelay $0x4  }
0xc0: {  	[tilespmem:$0x1450] =	vst v8  }
0xc1: {  	[tilespmem:$0x14D0] =	vst v8  }
0xc2: {  	[tilespmem:$0x1550] =	vst v8  }
0xc3: {  	[tilespmem:$0x15D0] =	vst v8  }
0xc4: {  	[tilespmem:$0x1650] =	vst v8  }
0xc5: {  	[tilespmem:$0x16D0] =	vst v8  }
0xc6: {  	[tilespmem:$0x1750] =	vst v8  }
0xc7: {  	[tilespmem:$0x17D0] =	vst v8  }
0xc8: {  	[tilespmem:$0x1C50] =	vst v8  }
0xc9: {  	[tilespmem:$0x1CD0] =	vst v8  }
0xca: {  	[tilespmem:$0x1D50] =	vst v8  }
0xcb: {  	[tilespmem:$0x1DD0] =	vst v8  }
0xcc: {  	[tilespmem:$0x1E50] =	vst v8  }
0xcd: {  	[tilespmem:$0x1ED0] =	vst v8  }
0xce: {  	[tilespmem:$0x1F50] =	vst v8  }
0xcf: {  	[tilespmem:$0x1FD0] =	vst v8  }
0xd0: {  	[tilespmem:$0x2450] =	vst v8  }
0xd1: {  	[tilespmem:$0x24D0] =	vst v8  }
0xd2: {  	[tilespmem:$0x2550] =	vst v8  }
0xd3: {  	[tilespmem:$0x25D0] =	vst v8  }
0xd4: {  	[tilespmem:$0x2650] =	vst v8  }
0xd5: {  	[tilespmem:$0x26D0] =	vst v8  }
0xd6: {  	[tilespmem:$0x2750] =	vst v8  }
0xd7: {  	[tilespmem:$0x27D0] =	vst v8  }
0xd8: {  	[tilespmem:$0x2C50] =	vst v8  }
0xd9: {  	[tilespmem:$0x2CD0] =	vst v8  }
0xda: {  	[tilespmem:$0x2D50] =	vst v8  }
0xdb: {  	[tilespmem:$0x2DD0] =	vst v8  }
0xdc: {  	[tilespmem:$0x2E50] =	vst v8  }
0xdd: {  	[tilespmem:$0x2ED0] =	vst v8  }
0xde: {  	[tilespmem:$0x2F50] =	vst v8  }
0xdf: {  	[tilespmem:$0x2FD0] =	vst v8  }
0xe0: {  	v8 =	vld.idx.msk [tilespmem:v6+s4+$0x0], $0xffff;
	_ =	sdelay $0x4  }
0xe1: {  	[tilespmem:$0x1460] =	vst v8  }
0xe2: {  	[tilespmem:$0x14E0] =	vst v8  }
0xe3: {  	[tilespmem:$0x1560] =	vst v8  }
0xe4: {  	[tilespmem:$0x15E0] =	vst v8  }
0xe5: {  	[tilespmem:$0x1660] =	vst v8  }
0xe6: {  	[tilespmem:$0x16E0] =	vst v8  }
0xe7: {  	[tilespmem:$0x1760] =	vst v8  }
0xe8: {  	[tilespmem:$0x17E0] =	vst v8  }
0xe9: {  	[tilespmem:$0x1C60] =	vst v8  }
0xea: {  	[tilespmem:$0x1CE0] =	vst v8  }
0xeb: {  	[tilespmem:$0x1D60] =	vst v8  }
0xec: {  	[tilespmem:$0x1DE0] =	vst v8  }
0xed: {  	[tilespmem:$0x1E60] =	vst v8  }
0xee: {  	[tilespmem:$0x1EE0] =	vst v8  }
0xef: {  	[tilespmem:$0x1F60] =	vst v8  }
0xf0: {  	[tilespmem:$0x1FE0] =	vst v8  }
0xf1: {  	[tilespmem:$0x2460] =	vst v8  }
0xf2: {  	[tilespmem:$0x24E0] =	vst v8  }
0xf3: {  	[tilespmem:$0x2560] =	vst v8  }
0xf4: {  	[tilespmem:$0x25E0] =	vst v8  }
0xf5: {  	[tilespmem:$0x2660] =	vst v8  }
0xf6: {  	[tilespmem:$0x26E0] =	vst v8  }
0xf7: {  	[tilespmem:$0x2760] =	vst v8  }
0xf8: {  	[tilespmem:$0x27E0] =	vst v8  }
0xf9: {  	[tilespmem:$0x2C60] =	vst v8  }
0xfa: {  	[tilespmem:$0x2CE0] =	vst v8  }
0xfb: {  	[tilespmem:$0x2D60] =	vst v8  }
0xfc: {  	[tilespmem:$0x2DE0] =	vst v8  }
0xfd: {  	[tilespmem:$0x2E60] =	vst v8  }
0xfe: {  	[tilespmem:$0x2EE0] =	vst v8  }
0xff: {  	[tilespmem:$0x2F60] =	vst v8  }
0x100: {  	[tilespmem:$0x2FE0] =	vst v8  }
0x101: {  	v8 =	vld.idx.msk [tilespmem:v7+s4+$0x0], $0xffff;
	_ =	sdelay $0x4  }
0x102: {  	[tilespmem:$0x1470] =	vst v8  }
0x103: {  	[tilespmem:$0x14F0] =	vst v8  }
0x104: {  	[tilespmem:$0x1570] =	vst v8  }
0x105: {  	[tilespmem:$0x15F0] =	vst v8  }
0x106: {  	[tilespmem:$0x1670] =	vst v8  }
0x107: {  	[tilespmem:$0x16F0] =	vst v8  }
0x108: {  	[tilespmem:$0x1770] =	vst v8  }
0x109: {  	[tilespmem:$0x17F0] =	vst v8  }
0x10a: {  	[tilespmem:$0x1C70] =	vst v8  }
0x10b: {  	[tilespmem:$0x1CF0] =	vst v8  }
0x10c: {  	[tilespmem:$0x1D70] =	vst v8  }
0x10d: {  	[tilespmem:$0x1DF0] =	vst v8  }
0x10e: {  	[tilespmem:$0x1E70] =	vst v8  }
0x10f: {  	[tilespmem:$0x1EF0] =	vst v8  }
0x110: {  	[tilespmem:$0x1F70] =	vst v8  }
0x111: {  	[tilespmem:$0x1FF0] =	vst v8  }
0x112: {  	[tilespmem:$0x2470] =	vst v8  }
0x113: {  	[tilespmem:$0x24F0] =	vst v8  }
0x114: {  	[tilespmem:$0x2570] =	vst v8  }
0x115: {  	[tilespmem:$0x25F0] =	vst v8  }
0x116: {  	[tilespmem:$0x2670] =	vst v8  }
0x117: {  	[tilespmem:$0x26F0] =	vst v8  }
0x118: {  	[tilespmem:$0x2770] =	vst v8  }
0x119: {  	[tilespmem:$0x27F0] =	vst v8  }
0x11a: {  	[tilespmem:$0x2C70] =	vst v8  }
0x11b: {  	[tilespmem:$0x2CF0] =	vst v8  }
0x11c: {  	[tilespmem:$0x2D70] =	vst v8  }
0x11d: {  	[tilespmem:$0x2DF0] =	vst v8  }
0x11e: {  	[tilespmem:$0x2E70] =	vst v8  }
0x11f: {  	[tilespmem:$0x2EF0] =	vst v8  }
0x120: {  	[tilespmem:$0x2F70] =	vst v8  }
0x121: {  	[tilespmem:$0x2FF0] =	vst v8  }
0x122: {  	_ =	swait.ge [sflag:s22], $0x1000  }
0x123: {  	[sflag:s22] =	ssyncset.done $0x0  }
0x124: {  	[sflag:s22] =	ssyncadd.s32 $0xFFFFF000  }
0x125: {  	[hbm4b:s5+s4] =	stream.linear.scatter [tilespmem:s17], [sflag:$0x1], $0x2000, $0x38;
	[tilespmem:$0x3000] =	vst v63  }
0x126: {  	_ = 	snop  }
0x127: {  	[hbm4b:s6+s4] =	stream.linear.scatter [tilespmem:s17], [sflag:$0x1], $0x2000, $0x38;
	[tilespmem:$0x3000] =	vst v63  }
0x128: {  	_ = 	snop  }
0x129: {  	[hbm4b:s7+s4] =	stream.linear.scatter [tilespmem:s17], [sflag:$0x1], $0x2000, $0x38;
	[tilespmem:$0x3000] =	vst v63  }
0x12a: {  	_ = 	snop  }
0x12b: {  	[hbm4b:s8+s4] =	stream.linear.scatter [tilespmem:s17], [sflag:$0x1], $0x2000, $0x38;
	[tilespmem:$0x3000] =	vst v63  }
0x12c: {  	_ = 	snop  }
0x12d: {  	[hbm4b:s9+s4] =	stream.linear.scatter [tilespmem:s17], [sflag:$0x1], $0x2000, $0x38;
	[tilespmem:$0x3000] =	vst v63  }
0x12e: {  	_ = 	snop  }
0x12f: {  	[hbm4b:s10+s4] =	stream.linear.scatter [tilespmem:s17], [sflag:$0x1], $0x2000, $0x38;
	[tilespmem:$0x3000] =	vst v63  }
0x130: {  	_ = 	snop  }
0x131: {  	[hbm4b:s11+s4] =	stream.linear.scatter [tilespmem:s17], [sflag:$0x1], $0x2000, $0x38;
	[tilespmem:$0x3000] =	vst v63  }
0x132: {  	_ = 	snop  }
0x133: {  	[hbm4b:s12+s4] =	stream.linear.scatter [tilespmem:s17], [sflag:$0x1], $0x2000, $0x38;
	[tilespmem:$0x3000] =	vst v63  }
0x134: {  	_ =	swait.ge [sflag:s22], $0x2000  }
0x135: {  	[sflag:s22] =	ssyncset.done $0x0  }
0x136: {  	[sflag:s22] =	ssyncadd.s32 $0xFFFFE000  }
0x137: {  	_ =	swait.ge [sflag:s22], $0x2000  }
0x138: {  	[sflag:s22] =	ssyncset.done $0x0  }
0x139: {  	[sflag:s22] =	ssyncadd.s32 $0xFFFFE000  }
0x13a: {  	_ =	swait.ge [sflag:s22], $0x2000  }
0x13b: {  	[sflag:s22] =	ssyncset.done $0x0  }
0x13c: {  	[sflag:s22] =	ssyncadd.s32 $0xFFFFE000  }
0x13d: {  	_ =	swait.ge [sflag:s22], $0x2000  }
0x13e: {  	[sflag:s22] =	ssyncset.done $0x0  }
0x13f: {  	[sflag:s22] =	ssyncadd.s32 $0xFFFFE000  }
0x140: {  	_ =	swait.ge [sflag:s22], $0x2000  }
0x141: {  	[sflag:s22] =	ssyncset.done $0x0  }
0x142: {  	[sflag:s22] =	ssyncadd.s32 $0xFFFFE000  }
0x143: {  	_ =	swait.ge [sflag:s22], $0x2000  }
0x144: {  	[sflag:s22] =	ssyncset.done $0x0  }
0x145: {  	[sflag:s22] =	ssyncadd.s32 $0xFFFFE000  }
0x146: {  	p0 =	sne.s32 s13, $0x1;
	_ =	swait.ge [sflag:s22], $0x2000  }
.Ltmp0:
0x147: {  	[sflag:s22] =	ssyncset.done $0x0;
	(pc) =	sbr.rel @p0 .LBB2_1-.Ltmp0, $4  }
0x148: {  	[sflag:s22] =	ssyncadd.s32 $0xFFFFE000  }
0x149: {  	_ =	swait.ge [sflag:s22], $0x2000  }
0x14a: {  	[sflag:s22] =	ssyncset.done $0x0  }
0x14b: {  	s13 =	sadd.s32 $0xFFFFFFFF, s13;
	[sflag:s22] =	ssyncadd.s32 $0xFFFFE000  }
0x14c: {  	_ =	sfence.sel $0x180000  }
0x14d: {  	[bflag:$0x0] =	sbarrier.arrive $0xFFFF  }
0x14e: {  	p0 =	sne.s32 s3, $0x0;
	_ =	strace $0x90000047  }
0x14f: {  	s0 =	sadd.s32 @!p0 $0x100000, s0;
	[bflag:$0x2] =	sbarrier.arrive $0xFFFF  }
0x150: {  	[sflag:s0] =	ssyncadd.tile.s32 @!p0 $0x1;
	_ =	shalt  }
.Lfunc_end2:
_tile_overlayer_lowered:
.L_overlay_start_2:
0x151: {  	(tag) =	ssettag $0x2  }
0x152: {  	s0 =	rddreg [dreg:$0x0];
	s2 =	stileid.u32  }
0x153: {  	s1 =	rddreg [dreg:$0x1];
	p0 =	sne.s32 s2, $0x0  }
0x154: {  	s3 =	rddreg [dreg:$0x2];
	[bflag:$0x3] =	sbarrier.arrive $0xFFFF;
	s2 =	simm.s32 @!p0 $0x1C03  }
0x155: {  	[timem:s3], [sflag:s2] =	dma.local @!p0 [hbm:s0], s1  }
0x156: {  	s0 =	simm.s32 @!p0 $0x3  }
0x157: {  	_ =	swait.ge @!p0 [sflag:s0], s1  }
0x158: {  	s1 =	ssub.s32 @!p0 $0x0, s1;
	[sflag:s0] =	ssyncset.done @!p0 $0x0  }
0x159: {  	[sflag:s0] =	ssyncadd.s32 @!p0 s1  }
0x15a: {  	[bflag:$0x3] =	sbarrier.arrive $0xFFFF  }
0x15b: {  	_ =	shalt  }

</sc_bundles>
